<compile_context>
chip_gen: v7x
topology: tpu7x:2x2x1
jax: 0.10.2.dev20260603
libtpu: 0.0.44.dev20260713+nightly
codegen_flags: <defaults>
</compile_context>

<pallas_src>
import functools

import jax
import jax.numpy as jnp
from jax import lax
from jax.experimental import pallas as pl
from jax.experimental.pallas import tpu as pltpu
from jax.experimental.pallas import tpu_sc as plsc

_B, _C, _H, _W = 64, 3, 512, 512
_PLANE = _H * _W
_G = _B * _C
_NC, _NS = 2, 16
_NWORK = _NC * _NS
_PER_W = _G // _NWORK


def _sc_permute(x2, perm16):
    mesh = plsc.VectorSubcoreMesh(core_axis_name="c", subcore_axis_name="s")

    @functools.partial(
        pl.kernel,
        mesh=mesh,
        out_type=jax.ShapeDtypeStruct((_G, _PLANE), jnp.float32),
        scratch_types=[
            pltpu.VMEM((32,), jnp.int32),
            pltpu.SemaphoreType.DMA,
        ],
    )
    def body(x_hbm, perm_hbm, out_hbm, perm_v, sem):
        wid = lax.axis_index("s") * _NC + lax.axis_index("c")
        pltpu.sync_copy(perm_hbm, perm_v)
        copies = []
        for j in range(_PER_W):
            g = wid * _PER_W + j
            b = g // _C
            c = g % _C
            pc = perm_v[pl.ds(c, 16)][0]
            src = b * _C + pc
            cp = pltpu.make_async_copy(x_hbm.at[src], out_hbm.at[g], sem)
            cp.start()
            copies.append(cp)
        for cp in copies:
            cp.wait()

    return body(x2, perm16)


def kernel(x, channel_order):
    x2 = x.reshape(_G, _PLANE)
    perm16 = jnp.zeros((32,), jnp.int32).at[:_C].set(channel_order)
    out = _sc_permute(x2, perm16)
    return out.reshape(_B, _C, _H, _W)

# --- scband reference (transcript-rebuilt; emitter-appended) ---
"""Pipeline reference for scband-index-select-module-61933428413263 (READ-ONLY COPY).

The authoritative reference and input builder live on the scoring server;
editing this copy changes nothing except your own understanding.
"""

import jax, jax.numpy as jnp
import numpy as np

def setup_inputs(seed: int = 0) -> dict:
    key = jax.random.key(seed)
    x = jax.random.normal(key, (64, 3, 512, 512), dtype=jnp.float32)
    channel_order = jnp.array([2, 1, 0], dtype=jnp.int32)
    return {"x": x, "channel_order": channel_order}

def reference(x, channel_order):
    # torch.index_select(x, 1, channel_order)
    return jnp.take(x, channel_order, axis=1)

if __name__ == "__main__":
    import jax
    _d = setup_inputs()
    print(jax.jit(kernel)(*tuple(_d.values())))

</pallas_src>

<mosaic_0001>
#map = affine_map<(d0, d1) -> (0, 0)>
#map1 = affine_map<(d0, d1) -> (0)>
module attributes {stable_mosaic.version = 14 : i64} {
  func.func @body(%arg0: i32, %arg1: i32, %arg2: memref<192x262144xf32, #tpu.memory_space<hbm>>, %arg3: memref<32xi32, #tpu.memory_space<hbm>>, %arg4: memref<192x262144xf32, #tpu.memory_space<hbm>>, %arg5: memref<32xi32, #tpu.memory_space<vmem>>, %arg6: memref<!tpu.dma_semaphore, #tpu.memory_space<semaphore_mem>>) attributes {dimension_semantics = [#tpu.dimension_semantics<core_parallel>, #tpu.dimension_semantics<subcore_parallel>], iteration_bounds = array<i64: 2, 16>, scalar_prefetch = 0 : i64, scratch_operands = 2 : i64, tpu.core_type = #tpu.core_type<sc_vector_subcore>, window_params = [{transform_indices = #map}, {transform_indices = #map1}, {transform_indices = #map}]} {
    %mul3A = arith.constant 2 : i32
    %mul3A_0 = arith.muli %arg1, %mul3A : i32
    %add3A = arith.addi %mul3A_0, %arg0 : i32
    "tpu.region"() ({
      %run_scoped3A = tpu.sem_alloc : memref<!tpu.dma_semaphore, #tpu.memory_space<semaphore_mem>>
      tpu.enqueue_dma source(%arg3 : memref<32xi32, #tpu.memory_space<hbm>>) target(%arg5 : memref<32xi32, #tpu.memory_space<vmem>>) target_semaphore(%run_scoped3A : memref<!tpu.dma_semaphore, #tpu.memory_space<semaphore_mem>>)
      tpu.wait_dma2 semaphore(%run_scoped3A : memref<!tpu.dma_semaphore, #tpu.memory_space<semaphore_mem>>) src(%arg3 : memref<32xi32, #tpu.memory_space<hbm>>) dst(%arg5 : memref<32xi32, #tpu.memory_space<vmem>>)
      tpu.yield
    }) : () -> ()
    %mul3A_1 = arith.constant 6 : i32
    %mul3A_2 = arith.muli %add3A, %mul3A_1 : i32
    %add3A_3 = arith.constant 0 : i32
    %add3A_4 = arith.addi %mul3A_2, %add3A_3 : i32
    %jit3A = arith.constant 3 : i32
    %div3A = arith.divsi %add3A_4, %jit3A : i32
    %sign3A = arith.constant 0 : i32
    %sign3A_5 = arith.cmpi sgt, %add3A_4, %sign3A : i32
    %sign3A_6 = arith.extui %sign3A_5 : i1 to i32
    %sign3A_7 = arith.constant 0 : i32
    %sign3A_8 = arith.cmpi slt, %add3A_4, %sign3A_7 : i32
    %sign3A_9 = arith.extui %sign3A_8 : i1 to i32
    %sign3A_10 = arith.subi %sign3A_6, %sign3A_9 : i32
    %sign3A_11 = arith.constant 0 : i32
    %sign3A_12 = arith.cmpi sgt, %jit3A, %sign3A_11 : i32
    %sign3A_13 = arith.extui %sign3A_12 : i1 to i32
    %sign3A_14 = arith.constant 0 : i32
    %sign3A_15 = arith.cmpi slt, %jit3A, %sign3A_14 : i32
    %sign3A_16 = arith.extui %sign3A_15 : i1 to i32
    %sign3A_17 = arith.subi %sign3A_13, %sign3A_16 : i32
    %ne3A = arith.cmpi ne, %sign3A_10, %sign3A_17 : i32
    %rem3A = arith.remsi %add3A_4, %jit3A : i32
    %ne3A_18 = arith.constant 0 : i32
    %ne3A_19 = arith.cmpi ne, %rem3A, %ne3A_18 : i32
    %and3A = arith.andi %ne3A, %ne3A_19 : i1
    %sub3A = arith.constant 1 : i32
    %sub3A_20 = arith.subi %div3A, %sub3A : i32
    %select_n3A = arith.select %and3A, %sub3A_20, %div3A : i32
    %jit3A_21 = arith.constant 3 : i32
    %eq3A = arith.constant 0 : i32
    %eq3A_22 = arith.cmpi eq, %jit3A_21, %eq3A : i32
    %jit3A_23 = arith.constant 1 : i32
    %select_n3A_24 = arith.select %eq3A_22, %jit3A_23, %jit3A_21 : i32
    %rem3A_25 = arith.remsi %add3A_4, %select_n3A_24 : i32
    %ne3A_26 = arith.constant 0 : i32
    %ne3A_27 = arith.cmpi ne, %rem3A_25, %ne3A_26 : i32
    %lt3A = arith.constant 0 : i32
    %lt3A_28 = arith.cmpi slt, %rem3A_25, %lt3A : i32
    %lt3A_29 = arith.constant 0 : i32
    %lt3A_30 = arith.cmpi slt, %select_n3A_24, %lt3A_29 : i32
    %ne3A_31 = arith.xori %lt3A_28, %lt3A_30 : i1
    %and3A_32 = arith.andi %ne3A_31, %ne3A_27 : i1
    %add3A_33 = arith.addi %rem3A_25, %select_n3A_24 : i32
    %select_n3A_34 = arith.select %and3A_32, %add3A_33, %rem3A_25 : i32
    %get3A = arith.index_cast %select_n3A_34 : i32 to index
    %get3A_35 = tpu.vector_load %arg5[%get3A] {strides = array<i32>} : memref<32xi32, #tpu.memory_space<vmem>>, vector<16xi32>,
    %get3A_36 = vector.shape_cast %get3A_35 : vector<16xi32> to vector<16xi32>
    %slice3A = vector.extract_strided_slice %get3A_36 {offsets = [0], sizes = [1], strides = [1]} : vector<16xi32> to vector<1xi32>
    %squeeze3A = vector.extract %slice3A[0] : i32 from vector<1xi32>
    %mul3A_37 = arith.constant 3 : i32
    %mul3A_38 = arith.muli %select_n3A, %mul3A_37 : i32
    %add3A_39 = arith.addi %mul3A_38, %squeeze3A : i32
    %dma_start3A = arith.constant 0 : i32
    %dma_start3A_40 = tpu.memref_slice %arg4[%add3A_4, %dma_start3A] : memref<192x262144xf32, #tpu.memory_space<hbm>> -> memref<1x262144xf32, #tpu.memory_space<hbm>>
    %dma_start3A_41 = tpu.memref_squeeze %dma_start3A_40 : memref<1x262144xf32, #tpu.memory_space<hbm>> -> memref<262144xf32, #tpu.memory_space<hbm>>
    %dma_start3A_42 = arith.constant 0 : i32
    %dma_start3A_43 = tpu.memref_slice %arg2[%add3A_39, %dma_start3A_42] : memref<192x262144xf32, #tpu.memory_space<hbm>> -> memref<1x262144xf32, #tpu.memory_space<hbm>>
    %dma_start3A_44 = tpu.memref_squeeze %dma_start3A_43 : memref<1x262144xf32, #tpu.memory_space<hbm>> -> memref<262144xf32, #tpu.memory_space<hbm>>
    tpu.enqueue_dma source(%dma_start3A_44 : memref<262144xf32, #tpu.memory_space<hbm>>) target(%dma_start3A_41 : memref<262144xf32, #tpu.memory_space<hbm>>) target_semaphore(%arg6 : memref<!tpu.dma_semaphore, #tpu.memory_space<semaphore_mem>>)
    %mul3A_45 = arith.constant 6 : i32
    %mul3A_46 = arith.muli %add3A, %mul3A_45 : i32
    %add3A_47 = arith.constant 1 : i32
    %add3A_48 = arith.addi %mul3A_46, %add3A_47 : i32
    %jit3A_49 = arith.constant 3 : i32
    %div3A_50 = arith.divsi %add3A_48, %jit3A_49 : i32
    %sign3A_51 = arith.constant 0 : i32
    %sign3A_52 = arith.cmpi sgt, %add3A_48, %sign3A_51 : i32
    %sign3A_53 = arith.extui %sign3A_52 : i1 to i32
    %sign3A_54 = arith.constant 0 : i32
    %sign3A_55 = arith.cmpi slt, %add3A_48, %sign3A_54 : i32
    %sign3A_56 = arith.extui %sign3A_55 : i1 to i32
    %sign3A_57 = arith.subi %sign3A_53, %sign3A_56 : i32
    %sign3A_58 = arith.constant 0 : i32
    %sign3A_59 = arith.cmpi sgt, %jit3A_49, %sign3A_58 : i32
    %sign3A_60 = arith.extui %sign3A_59 : i1 to i32
    %sign3A_61 = arith.constant 0 : i32
    %sign3A_62 = arith.cmpi slt, %jit3A_49, %sign3A_61 : i32
    %sign3A_63 = arith.extui %sign3A_62 : i1 to i32
    %sign3A_64 = arith.subi %sign3A_60, %sign3A_63 : i32
    %ne3A_65 = arith.cmpi ne, %sign3A_57, %sign3A_64 : i32
    %rem3A_66 = arith.remsi %add3A_48, %jit3A_49 : i32
    %ne3A_67 = arith.constant 0 : i32
    %ne3A_68 = arith.cmpi ne, %rem3A_66, %ne3A_67 : i32
    %and3A_69 = arith.andi %ne3A_65, %ne3A_68 : i1
    %sub3A_70 = arith.constant 1 : i32
    %sub3A_71 = arith.subi %div3A_50, %sub3A_70 : i32
    %select_n3A_72 = arith.select %and3A_69, %sub3A_71, %div3A_50 : i32
    %jit3A_73 = arith.constant 3 : i32
    %eq3A_74 = arith.constant 0 : i32
    %eq3A_75 = arith.cmpi eq, %jit3A_73, %eq3A_74 : i32
    %jit3A_76 = arith.constant 1 : i32
    %select_n3A_77 = arith.select %eq3A_75, %jit3A_76, %jit3A_73 : i32
    %rem3A_78 = arith.remsi %add3A_48, %select_n3A_77 : i32
    %ne3A_79 = arith.constant 0 : i32
    %ne3A_80 = arith.cmpi ne, %rem3A_78, %ne3A_79 : i32
    %lt3A_81 = arith.constant 0 : i32
    %lt3A_82 = arith.cmpi slt, %rem3A_78, %lt3A_81 : i32
    %lt3A_83 = arith.constant 0 : i32
    %lt3A_84 = arith.cmpi slt, %select_n3A_77, %lt3A_83 : i32
    %ne3A_85 = arith.xori %lt3A_82, %lt3A_84 : i1
    %and3A_86 = arith.andi %ne3A_85, %ne3A_80 : i1
    %add3A_87 = arith.addi %rem3A_78, %select_n3A_77 : i32
    %select_n3A_88 = arith.select %and3A_86, %add3A_87, %rem3A_78 : i32
    %get3A_89 = arith.index_cast %select_n3A_88 : i32 to index
    %get3A_90 = tpu.vector_load %arg5[%get3A_89] {strides = array<i32>} : memref<32xi32, #tpu.memory_space<vmem>>, vector<16xi32>,
    %get3A_91 = vector.shape_cast %get3A_90 : vector<16xi32> to vector<16xi32>
    %slice3A_92 = vector.extract_strided_slice %get3A_91 {offsets = [0], sizes = [1], strides = [1]} : vector<16xi32> to vector<1xi32>
    %squeeze3A_93 = vector.extract %slice3A_92[0] : i32 from vector<1xi32>
    %mul3A_94 = arith.constant 3 : i32
    %mul3A_95 = arith.muli %select_n3A_72, %mul3A_94 : i32
    %add3A_96 = arith.addi %mul3A_95, %squeeze3A_93 : i32
    %dma_start3A_97 = arith.constant 0 : i32
    %dma_start3A_98 = tpu.memref_slice %arg4[%add3A_48, %dma_start3A_97] : memref<192x262144xf32, #tpu.memory_space<hbm>> -> memref<1x262144xf32, #tpu.memory_space<hbm>>
    %dma_start3A_99 = tpu.memref_squeeze %dma_start3A_98 : memref<1x262144xf32, #tpu.memory_space<hbm>> -> memref<262144xf32, #tpu.memory_space<hbm>>
    %dma_start3A_100 = arith.constant 0 : i32
    %dma_start3A_101 = tpu.memref_slice %arg2[%add3A_96, %dma_start3A_100] : memref<192x262144xf32, #tpu.memory_space<hbm>> -> memref<1x262144xf32, #tpu.memory_space<hbm>>
    %dma_start3A_102 = tpu.memref_squeeze %dma_start3A_101 : memref<1x262144xf32, #tpu.memory_space<hbm>> -> memref<262144xf32, #tpu.memory_space<hbm>>
    tpu.enqueue_dma source(%dma_start3A_102 : memref<262144xf32, #tpu.memory_space<hbm>>) target(%dma_start3A_99 : memref<262144xf32, #tpu.memory_space<hbm>>) target_semaphore(%arg6 : memref<!tpu.dma_semaphore, #tpu.memory_space<semaphore_mem>>)
    %mul3A_103 = arith.constant 6 : i32
    %mul3A_104 = arith.muli %add3A, %mul3A_103 : i32
    %add3A_105 = arith.constant 2 : i32
    %add3A_106 = arith.addi %mul3A_104, %add3A_105 : i32
    %jit3A_107 = arith.constant 3 : i32
    %div3A_108 = arith.divsi %add3A_106, %jit3A_107 : i32
    %sign3A_109 = arith.constant 0 : i32
    %sign3A_110 = arith.cmpi sgt, %add3A_106, %sign3A_109 : i32
    %sign3A_111 = arith.extui %sign3A_110 : i1 to i32
    %sign3A_112 = arith.constant 0 : i32
    %sign3A_113 = arith.cmpi slt, %add3A_106, %sign3A_112 : i32
    %sign3A_114 = arith.extui %sign3A_113 : i1 to i32
    %sign3A_115 = arith.subi %sign3A_111, %sign3A_114 : i32
    %sign3A_116 = arith.constant 0 : i32
    %sign3A_117 = arith.cmpi sgt, %jit3A_107, %sign3A_116 : i32
    %sign3A_118 = arith.extui %sign3A_117 : i1 to i32
    %sign3A_119 = arith.constant 0 : i32
    %sign3A_120 = arith.cmpi slt, %jit3A_107, %sign3A_119 : i32
    %sign3A_121 = arith.extui %sign3A_120 : i1 to i32
    %sign3A_122 = arith.subi %sign3A_118, %sign3A_121 : i32
    %ne3A_123 = arith.cmpi ne, %sign3A_115, %sign3A_122 : i32
    %rem3A_124 = arith.remsi %add3A_106, %jit3A_107 : i32
    %ne3A_125 = arith.constant 0 : i32
    %ne3A_126 = arith.cmpi ne, %rem3A_124, %ne3A_125 : i32
    %and3A_127 = arith.andi %ne3A_123, %ne3A_126 : i1
    %sub3A_128 = arith.constant 1 : i32
    %sub3A_129 = arith.subi %div3A_108, %sub3A_128 : i32
    %select_n3A_130 = arith.select %and3A_127, %sub3A_129, %div3A_108 : i32
    %jit3A_131 = arith.constant 3 : i32
    %eq3A_132 = arith.constant 0 : i32
    %eq3A_133 = arith.cmpi eq, %jit3A_131, %eq3A_132 : i32
    %jit3A_134 = arith.constant 1 : i32
    %select_n3A_135 = arith.select %eq3A_133, %jit3A_134, %jit3A_131 : i32
    %rem3A_136 = arith.remsi %add3A_106, %select_n3A_135 : i32
    %ne3A_137 = arith.constant 0 : i32
    %ne3A_138 = arith.cmpi ne, %rem3A_136, %ne3A_137 : i32
    %lt3A_139 = arith.constant 0 : i32
    %lt3A_140 = arith.cmpi slt, %rem3A_136, %lt3A_139 : i32
    %lt3A_141 = arith.constant 0 : i32
    %lt3A_142 = arith.cmpi slt, %select_n3A_135, %lt3A_141 : i32
    %ne3A_143 = arith.xori %lt3A_140, %lt3A_142 : i1
    %and3A_144 = arith.andi %ne3A_143, %ne3A_138 : i1
    %add3A_145 = arith.addi %rem3A_136, %select_n3A_135 : i32
    %select_n3A_146 = arith.select %and3A_144, %add3A_145, %rem3A_136 : i32
    %get3A_147 = arith.index_cast %select_n3A_146 : i32 to index
    %get3A_148 = tpu.vector_load %arg5[%get3A_147] {strides = array<i32>} : memref<32xi32, #tpu.memory_space<vmem>>, vector<16xi32>,
    %get3A_149 = vector.shape_cast %get3A_148 : vector<16xi32> to vector<16xi32>
    %slice3A_150 = vector.extract_strided_slice %get3A_149 {offsets = [0], sizes = [1], strides = [1]} : vector<16xi32> to vector<1xi32>
    %squeeze3A_151 = vector.extract %slice3A_150[0] : i32 from vector<1xi32>
    %mul3A_152 = arith.constant 3 : i32
    %mul3A_153 = arith.muli %select_n3A_130, %mul3A_152 : i32
    %add3A_154 = arith.addi %mul3A_153, %squeeze3A_151 : i32
    %dma_start3A_155 = arith.constant 0 : i32
    %dma_start3A_156 = tpu.memref_slice %arg4[%add3A_106, %dma_start3A_155] : memref<192x262144xf32, #tpu.memory_space<hbm>> -> memref<1x262144xf32, #tpu.memory_space<hbm>>
    %dma_start3A_157 = tpu.memref_squeeze %dma_start3A_156 : memref<1x262144xf32, #tpu.memory_space<hbm>> -> memref<262144xf32, #tpu.memory_space<hbm>>
    %dma_start3A_158 = arith.constant 0 : i32
    %dma_start3A_159 = tpu.memref_slice %arg2[%add3A_154, %dma_start3A_158] : memref<192x262144xf32, #tpu.memory_space<hbm>> -> memref<1x262144xf32, #tpu.memory_space<hbm>>
    %dma_start3A_160 = tpu.memref_squeeze %dma_start3A_159 : memref<1x262144xf32, #tpu.memory_space<hbm>> -> memref<262144xf32, #tpu.memory_space<hbm>>
    tpu.enqueue_dma source(%dma_start3A_160 : memref<262144xf32, #tpu.memory_space<hbm>>) target(%dma_start3A_157 : memref<262144xf32, #tpu.memory_space<hbm>>) target_semaphore(%arg6 : memref<!tpu.dma_semaphore, #tpu.memory_space<semaphore_mem>>)
    %mul3A_161 = arith.constant 6 : i32
    %mul3A_162 = arith.muli %add3A, %mul3A_161 : i32
    %add3A_163 = arith.constant 3 : i32
    %add3A_164 = arith.addi %mul3A_162, %add3A_163 : i32
    %jit3A_165 = arith.constant 3 : i32
    %div3A_166 = arith.divsi %add3A_164, %jit3A_165 : i32
    %sign3A_167 = arith.constant 0 : i32
    %sign3A_168 = arith.cmpi sgt, %add3A_164, %sign3A_167 : i32
    %sign3A_169 = arith.extui %sign3A_168 : i1 to i32
    %sign3A_170 = arith.constant 0 : i32
    %sign3A_171 = arith.cmpi slt, %add3A_164, %sign3A_170 : i32
    %sign3A_172 = arith.extui %sign3A_171 : i1 to i32
    %sign3A_173 = arith.subi %sign3A_169, %sign3A_172 : i32
    %sign3A_174 = arith.constant 0 : i32
    %sign3A_175 = arith.cmpi sgt, %jit3A_165, %sign3A_174 : i32
    %sign3A_176 = arith.extui %sign3A_175 : i1 to i32
    %sign3A_177 = arith.constant 0 : i32
    %sign3A_178 = arith.cmpi slt, %jit3A_165, %sign3A_177 : i32
    %sign3A_179 = arith.extui %sign3A_178 : i1 to i32
    %sign3A_180 = arith.subi %sign3A_176, %sign3A_179 : i32
    %ne3A_181 = arith.cmpi ne, %sign3A_173, %sign3A_180 : i32
    %rem3A_182 = arith.remsi %add3A_164, %jit3A_165 : i32
    %ne3A_183 = arith.constant 0 : i32
    %ne3A_184 = arith.cmpi ne, %rem3A_182, %ne3A_183 : i32
    %and3A_185 = arith.andi %ne3A_181, %ne3A_184 : i1
    %sub3A_186 = arith.constant 1 : i32
    %sub3A_187 = arith.subi %div3A_166, %sub3A_186 : i32
    %select_n3A_188 = arith.select %and3A_185, %sub3A_187, %div3A_166 : i32
    %jit3A_189 = arith.constant 3 : i32
    %eq3A_190 = arith.constant 0 : i32
    %eq3A_191 = arith.cmpi eq, %jit3A_189, %eq3A_190 : i32
    %jit3A_192 = arith.constant 1 : i32
    %select_n3A_193 = arith.select %eq3A_191, %jit3A_192, %jit3A_189 : i32
    %rem3A_194 = arith.remsi %add3A_164, %select_n3A_193 : i32
    %ne3A_195 = arith.constant 0 : i32
    %ne3A_196 = arith.cmpi ne, %rem3A_194, %ne3A_195 : i32
    %lt3A_197 = arith.constant 0 : i32
    %lt3A_198 = arith.cmpi slt, %rem3A_194, %lt3A_197 : i32
    %lt3A_199 = arith.constant 0 : i32
    %lt3A_200 = arith.cmpi slt, %select_n3A_193, %lt3A_199 : i32
    %ne3A_201 = arith.xori %lt3A_198, %lt3A_200 : i1
    %and3A_202 = arith.andi %ne3A_201, %ne3A_196 : i1
    %add3A_203 = arith.addi %rem3A_194, %select_n3A_193 : i32
    %select_n3A_204 = arith.select %and3A_202, %add3A_203, %rem3A_194 : i32
    %get3A_205 = arith.index_cast %select_n3A_204 : i32 to index
    %get3A_206 = tpu.vector_load %arg5[%get3A_205] {strides = array<i32>} : memref<32xi32, #tpu.memory_space<vmem>>, vector<16xi32>,
    %get3A_207 = vector.shape_cast %get3A_206 : vector<16xi32> to vector<16xi32>
    %slice3A_208 = vector.extract_strided_slice %get3A_207 {offsets = [0], sizes = [1], strides = [1]} : vector<16xi32> to vector<1xi32>
    %squeeze3A_209 = vector.extract %slice3A_208[0] : i32 from vector<1xi32>
    %mul3A_210 = arith.constant 3 : i32
    %mul3A_211 = arith.muli %select_n3A_188, %mul3A_210 : i32
    %add3A_212 = arith.addi %mul3A_211, %squeeze3A_209 : i32
    %dma_start3A_213 = arith.constant 0 : i32
    %dma_start3A_214 = tpu.memref_slice %arg4[%add3A_164, %dma_start3A_213] : memref<192x262144xf32, #tpu.memory_space<hbm>> -> memref<1x262144xf32, #tpu.memory_space<hbm>>
    %dma_start3A_215 = tpu.memref_squeeze %dma_start3A_214 : memref<1x262144xf32, #tpu.memory_space<hbm>> -> memref<262144xf32, #tpu.memory_space<hbm>>
    %dma_start3A_216 = arith.constant 0 : i32
    %dma_start3A_217 = tpu.memref_slice %arg2[%add3A_212, %dma_start3A_216] : memref<192x262144xf32, #tpu.memory_space<hbm>> -> memref<1x262144xf32, #tpu.memory_space<hbm>>
    %dma_start3A_218 = tpu.memref_squeeze %dma_start3A_217 : memref<1x262144xf32, #tpu.memory_space<hbm>> -> memref<262144xf32, #tpu.memory_space<hbm>>
    tpu.enqueue_dma source(%dma_start3A_218 : memref<262144xf32, #tpu.memory_space<hbm>>) target(%dma_start3A_215 : memref<262144xf32, #tpu.memory_space<hbm>>) target_semaphore(%arg6 : memref<!tpu.dma_semaphore, #tpu.memory_space<semaphore_mem>>)
    %mul3A_219 = arith.constant 6 : i32
    %mul3A_220 = arith.muli %add3A, %mul3A_219 : i32
    %add3A_221 = arith.constant 4 : i32
    %add3A_222 = arith.addi %mul3A_220, %add3A_221 : i32
    %jit3A_223 = arith.constant 3 : i32
    %div3A_224 = arith.divsi %add3A_222, %jit3A_223 : i32
    %sign3A_225 = arith.constant 0 : i32
    %sign3A_226 = arith.cmpi sgt, %add3A_222, %sign3A_225 : i32
    %sign3A_227 = arith.extui %sign3A_226 : i1 to i32
    %sign3A_228 = arith.constant 0 : i32
    %sign3A_229 = arith.cmpi slt, %add3A_222, %sign3A_228 : i32
    %sign3A_230 = arith.extui %sign3A_229 : i1 to i32
    %sign3A_231 = arith.subi %sign3A_227, %sign3A_230 : i32
    %sign3A_232 = arith.constant 0 : i32
    %sign3A_233 = arith.cmpi sgt, %jit3A_223, %sign3A_232 : i32
    %sign3A_234 = arith.extui %sign3A_233 : i1 to i32
    %sign3A_235 = arith.constant 0 : i32
    %sign3A_236 = arith.cmpi slt, %jit3A_223, %sign3A_235 : i32
    %sign3A_237 = arith.extui %sign3A_236 : i1 to i32
    %sign3A_238 = arith.subi %sign3A_234, %sign3A_237 : i32
    %ne3A_239 = arith.cmpi ne, %sign3A_231, %sign3A_238 : i32
    %rem3A_240 = arith.remsi %add3A_222, %jit3A_223 : i32
    %ne3A_241 = arith.constant 0 : i32
    %ne3A_242 = arith.cmpi ne, %rem3A_240, %ne3A_241 : i32
    %and3A_243 = arith.andi %ne3A_239, %ne3A_242 : i1
    %sub3A_244 = arith.constant 1 : i32
    %sub3A_245 = arith.subi %div3A_224, %sub3A_244 : i32
    %select_n3A_246 = arith.select %and3A_243, %sub3A_245, %div3A_224 : i32
    %jit3A_247 = arith.constant 3 : i32
    %eq3A_248 = arith.constant 0 : i32
    %eq3A_249 = arith.cmpi eq, %jit3A_247, %eq3A_248 : i32
    %jit3A_250 = arith.constant 1 : i32
    %select_n3A_251 = arith.select %eq3A_249, %jit3A_250, %jit3A_247 : i32
    %rem3A_252 = arith.remsi %add3A_222, %select_n3A_251 : i32
    %ne3A_253 = arith.constant 0 : i32
    %ne3A_254 = arith.cmpi ne, %rem3A_252, %ne3A_253 : i32
    %lt3A_255 = arith.constant 0 : i32
    %lt3A_256 = arith.cmpi slt, %rem3A_252, %lt3A_255 : i32
    %lt3A_257 = arith.constant 0 : i32
    %lt3A_258 = arith.cmpi slt, %select_n3A_251, %lt3A_257 : i32
    %ne3A_259 = arith.xori %lt3A_256, %lt3A_258 : i1
    %and3A_260 = arith.andi %ne3A_259, %ne3A_254 : i1
    %add3A_261 = arith.addi %rem3A_252, %select_n3A_251 : i32
    %select_n3A_262 = arith.select %and3A_260, %add3A_261, %rem3A_252 : i32
    %get3A_263 = arith.index_cast %select_n3A_262 : i32 to index
    %get3A_264 = tpu.vector_load %arg5[%get3A_263] {strides = array<i32>} : memref<32xi32, #tpu.memory_space<vmem>>, vector<16xi32>,
    %get3A_265 = vector.shape_cast %get3A_264 : vector<16xi32> to vector<16xi32>
    %slice3A_266 = vector.extract_strided_slice %get3A_265 {offsets = [0], sizes = [1], strides = [1]} : vector<16xi32> to vector<1xi32>
    %squeeze3A_267 = vector.extract %slice3A_266[0] : i32 from vector<1xi32>
    %mul3A_268 = arith.constant 3 : i32
    %mul3A_269 = arith.muli %select_n3A_246, %mul3A_268 : i32
    %add3A_270 = arith.addi %mul3A_269, %squeeze3A_267 : i32
    %dma_start3A_271 = arith.constant 0 : i32
    %dma_start3A_272 = tpu.memref_slice %arg4[%add3A_222, %dma_start3A_271] : memref<192x262144xf32, #tpu.memory_space<hbm>> -> memref<1x262144xf32, #tpu.memory_space<hbm>>
    %dma_start3A_273 = tpu.memref_squeeze %dma_start3A_272 : memref<1x262144xf32, #tpu.memory_space<hbm>> -> memref<262144xf32, #tpu.memory_space<hbm>>
    %dma_start3A_274 = arith.constant 0 : i32
    %dma_start3A_275 = tpu.memref_slice %arg2[%add3A_270, %dma_start3A_274] : memref<192x262144xf32, #tpu.memory_space<hbm>> -> memref<1x262144xf32, #tpu.memory_space<hbm>>
    %dma_start3A_276 = tpu.memref_squeeze %dma_start3A_275 : memref<1x262144xf32, #tpu.memory_space<hbm>> -> memref<262144xf32, #tpu.memory_space<hbm>>
    tpu.enqueue_dma source(%dma_start3A_276 : memref<262144xf32, #tpu.memory_space<hbm>>) target(%dma_start3A_273 : memref<262144xf32, #tpu.memory_space<hbm>>) target_semaphore(%arg6 : memref<!tpu.dma_semaphore, #tpu.memory_space<semaphore_mem>>)
    %mul3A_277 = arith.constant 6 : i32
    %mul3A_278 = arith.muli %add3A, %mul3A_277 : i32
    %add3A_279 = arith.constant 5 : i32
    %add3A_280 = arith.addi %mul3A_278, %add3A_279 : i32
    %jit3A_281 = arith.constant 3 : i32
    %div3A_282 = arith.divsi %add3A_280, %jit3A_281 : i32
    %sign3A_283 = arith.constant 0 : i32
    %sign3A_284 = arith.cmpi sgt, %add3A_280, %sign3A_283 : i32
    %sign3A_285 = arith.extui %sign3A_284 : i1 to i32
    %sign3A_286 = arith.constant 0 : i32
    %sign3A_287 = arith.cmpi slt, %add3A_280, %sign3A_286 : i32
    %sign3A_288 = arith.extui %sign3A_287 : i1 to i32
    %sign3A_289 = arith.subi %sign3A_285, %sign3A_288 : i32
    %sign3A_290 = arith.constant 0 : i32
    %sign3A_291 = arith.cmpi sgt, %jit3A_281, %sign3A_290 : i32
    %sign3A_292 = arith.extui %sign3A_291 : i1 to i32
    %sign3A_293 = arith.constant 0 : i32
    %sign3A_294 = arith.cmpi slt, %jit3A_281, %sign3A_293 : i32
    %sign3A_295 = arith.extui %sign3A_294 : i1 to i32
    %sign3A_296 = arith.subi %sign3A_292, %sign3A_295 : i32
    %ne3A_297 = arith.cmpi ne, %sign3A_289, %sign3A_296 : i32
    %rem3A_298 = arith.remsi %add3A_280, %jit3A_281 : i32
    %ne3A_299 = arith.constant 0 : i32
    %ne3A_300 = arith.cmpi ne, %rem3A_298, %ne3A_299 : i32
    %and3A_301 = arith.andi %ne3A_297, %ne3A_300 : i1
    %sub3A_302 = arith.constant 1 : i32
    %sub3A_303 = arith.subi %div3A_282, %sub3A_302 : i32
    %select_n3A_304 = arith.select %and3A_301, %sub3A_303, %div3A_282 : i32
    %jit3A_305 = arith.constant 3 : i32
    %eq3A_306 = arith.constant 0 : i32
    %eq3A_307 = arith.cmpi eq, %jit3A_305, %eq3A_306 : i32
    %jit3A_308 = arith.constant 1 : i32
    %select_n3A_309 = arith.select %eq3A_307, %jit3A_308, %jit3A_305 : i32
    %rem3A_310 = arith.remsi %add3A_280, %select_n3A_309 : i32
    %ne3A_311 = arith.constant 0 : i32
    %ne3A_312 = arith.cmpi ne, %rem3A_310, %ne3A_311 : i32
    %lt3A_313 = arith.constant 0 : i32
    %lt3A_314 = arith.cmpi slt, %rem3A_310, %lt3A_313 : i32
    %lt3A_315 = arith.constant 0 : i32
    %lt3A_316 = arith.cmpi slt, %select_n3A_309, %lt3A_315 : i32
    %ne3A_317 = arith.xori %lt3A_314, %lt3A_316 : i1
    %and3A_318 = arith.andi %ne3A_317, %ne3A_312 : i1
    %add3A_319 = arith.addi %rem3A_310, %select_n3A_309 : i32
    %select_n3A_320 = arith.select %and3A_318, %add3A_319, %rem3A_310 : i32
    %get3A_321 = arith.index_cast %select_n3A_320 : i32 to index
    %get3A_322 = tpu.vector_load %arg5[%get3A_321] {strides = array<i32>} : memref<32xi32, #tpu.memory_space<vmem>>, vector<16xi32>,
    %get3A_323 = vector.shape_cast %get3A_322 : vector<16xi32> to vector<16xi32>
    %slice3A_324 = vector.extract_strided_slice %get3A_323 {offsets = [0], sizes = [1], strides = [1]} : vector<16xi32> to vector<1xi32>
    %squeeze3A_325 = vector.extract %slice3A_324[0] : i32 from vector<1xi32>
    %mul3A_326 = arith.constant 3 : i32
    %mul3A_327 = arith.muli %select_n3A_304, %mul3A_326 : i32
    %add3A_328 = arith.addi %mul3A_327, %squeeze3A_325 : i32
    %dma_start3A_329 = arith.constant 0 : i32
    %dma_start3A_330 = tpu.memref_slice %arg4[%add3A_280, %dma_start3A_329] : memref<192x262144xf32, #tpu.memory_space<hbm>> -> memref<1x262144xf32, #tpu.memory_space<hbm>>
    %dma_start3A_331 = tpu.memref_squeeze %dma_start3A_330 : memref<1x262144xf32, #tpu.memory_space<hbm>> -> memref<262144xf32, #tpu.memory_space<hbm>>
    %dma_start3A_332 = arith.constant 0 : i32
    %dma_start3A_333 = tpu.memref_slice %arg2[%add3A_328, %dma_start3A_332] : memref<192x262144xf32, #tpu.memory_space<hbm>> -> memref<1x262144xf32, #tpu.memory_space<hbm>>
    %dma_start3A_334 = tpu.memref_squeeze %dma_start3A_333 : memref<1x262144xf32, #tpu.memory_space<hbm>> -> memref<262144xf32, #tpu.memory_space<hbm>>
    tpu.enqueue_dma source(%dma_start3A_334 : memref<262144xf32, #tpu.memory_space<hbm>>) target(%dma_start3A_331 : memref<262144xf32, #tpu.memory_space<hbm>>) target_semaphore(%arg6 : memref<!tpu.dma_semaphore, #tpu.memory_space<semaphore_mem>>)
    %dma_wait3A = arith.constant 0 : i32
    %dma_wait3A_335 = tpu.memref_slice %arg4[%add3A_4, %dma_wait3A] : memref<192x262144xf32, #tpu.memory_space<hbm>> -> memref<1x262144xf32, #tpu.memory_space<hbm>>
    %dma_wait3A_336 = tpu.memref_squeeze %dma_wait3A_335 : memref<1x262144xf32, #tpu.memory_space<hbm>> -> memref<262144xf32, #tpu.memory_space<hbm>>
    %dma_wait3A_337 = arith.constant 0 : i32
    %dma_wait3A_338 = tpu.memref_slice %arg2[%add3A_39, %dma_wait3A_337] : memref<192x262144xf32, #tpu.memory_space<hbm>> -> memref<1x262144xf32, #tpu.memory_space<hbm>>
    %dma_wait3A_339 = tpu.memref_squeeze %dma_wait3A_338 : memref<1x262144xf32, #tpu.memory_space<hbm>> -> memref<262144xf32, #tpu.memory_space<hbm>>
    tpu.wait_dma2 semaphore(%arg6 : memref<!tpu.dma_semaphore, #tpu.memory_space<semaphore_mem>>) src(%dma_wait3A_339 : memref<262144xf32, #tpu.memory_space<hbm>>) dst(%dma_wait3A_336 : memref<262144xf32, #tpu.memory_space<hbm>>)
    %dma_wait3A_340 = arith.constant 0 : i32
    %dma_wait3A_341 = tpu.memref_slice %arg4[%add3A_48, %dma_wait3A_340] : memref<192x262144xf32, #tpu.memory_space<hbm>> -> memref<1x262144xf32, #tpu.memory_space<hbm>>
    %dma_wait3A_342 = tpu.memref_squeeze %dma_wait3A_341 : memref<1x262144xf32, #tpu.memory_space<hbm>> -> memref<262144xf32, #tpu.memory_space<hbm>>
    %dma_wait3A_343 = arith.constant 0 : i32
    %dma_wait3A_344 = tpu.memref_slice %arg2[%add3A_96, %dma_wait3A_343] : memref<192x262144xf32, #tpu.memory_space<hbm>> -> memref<1x262144xf32, #tpu.memory_space<hbm>>
    %dma_wait3A_345 = tpu.memref_squeeze %dma_wait3A_344 : memref<1x262144xf32, #tpu.memory_space<hbm>> -> memref<262144xf32, #tpu.memory_space<hbm>>
    tpu.wait_dma2 semaphore(%arg6 : memref<!tpu.dma_semaphore, #tpu.memory_space<semaphore_mem>>) src(%dma_wait3A_345 : memref<262144xf32, #tpu.memory_space<hbm>>) dst(%dma_wait3A_342 : memref<262144xf32, #tpu.memory_space<hbm>>)
    %dma_wait3A_346 = arith.constant 0 : i32
    %dma_wait3A_347 = tpu.memref_slice %arg4[%add3A_106, %dma_wait3A_346] : memref<192x262144xf32, #tpu.memory_space<hbm>> -> memref<1x262144xf32, #tpu.memory_space<hbm>>
    %dma_wait3A_348 = tpu.memref_squeeze %dma_wait3A_347 : memref<1x262144xf32, #tpu.memory_space<hbm>> -> memref<262144xf32, #tpu.memory_space<hbm>>
    %dma_wait3A_349 = arith.constant 0 : i32
    %dma_wait3A_350 = tpu.memref_slice %arg2[%add3A_154, %dma_wait3A_349] : memref<192x262144xf32, #tpu.memory_space<hbm>> -> memref<1x262144xf32, #tpu.memory_space<hbm>>
    %dma_wait3A_351 = tpu.memref_squeeze %dma_wait3A_350 : memref<1x262144xf32, #tpu.memory_space<hbm>> -> memref<262144xf32, #tpu.memory_space<hbm>>
    tpu.wait_dma2 semaphore(%arg6 : memref<!tpu.dma_semaphore, #tpu.memory_space<semaphore_mem>>) src(%dma_wait3A_351 : memref<262144xf32, #tpu.memory_space<hbm>>) dst(%dma_wait3A_348 : memref<262144xf32, #tpu.memory_space<hbm>>)
    %dma_wait3A_352 = arith.constant 0 : i32
    %dma_wait3A_353 = tpu.memref_slice %arg4[%add3A_164, %dma_wait3A_352] : memref<192x262144xf32, #tpu.memory_space<hbm>> -> memref<1x262144xf32, #tpu.memory_space<hbm>>
    %dma_wait3A_354 = tpu.memref_squeeze %dma_wait3A_353 : memref<1x262144xf32, #tpu.memory_space<hbm>> -> memref<262144xf32, #tpu.memory_space<hbm>>
    %dma_wait3A_355 = arith.constant 0 : i32
    %dma_wait3A_356 = tpu.memref_slice %arg2[%add3A_212, %dma_wait3A_355] : memref<192x262144xf32, #tpu.memory_space<hbm>> -> memref<1x262144xf32, #tpu.memory_space<hbm>>
    %dma_wait3A_357 = tpu.memref_squeeze %dma_wait3A_356 : memref<1x262144xf32, #tpu.memory_space<hbm>> -> memref<262144xf32, #tpu.memory_space<hbm>>
    tpu.wait_dma2 semaphore(%arg6 : memref<!tpu.dma_semaphore, #tpu.memory_space<semaphore_mem>>) src(%dma_wait3A_357 : memref<262144xf32, #tpu.memory_space<hbm>>) dst(%dma_wait3A_354 : memref<262144xf32, #tpu.memory_space<hbm>>)
    %dma_wait3A_358 = arith.constant 0 : i32
    %dma_wait3A_359 = tpu.memref_slice %arg4[%add3A_222, %dma_wait3A_358] : memref<192x262144xf32, #tpu.memory_space<hbm>> -> memref<1x262144xf32, #tpu.memory_space<hbm>>
    %dma_wait3A_360 = tpu.memref_squeeze %dma_wait3A_359 : memref<1x262144xf32, #tpu.memory_space<hbm>> -> memref<262144xf32, #tpu.memory_space<hbm>>
    %dma_wait3A_361 = arith.constant 0 : i32
    %dma_wait3A_362 = tpu.memref_slice %arg2[%add3A_270, %dma_wait3A_361] : memref<192x262144xf32, #tpu.memory_space<hbm>> -> memref<1x262144xf32, #tpu.memory_space<hbm>>
    %dma_wait3A_363 = tpu.memref_squeeze %dma_wait3A_362 : memref<1x262144xf32, #tpu.memory_space<hbm>> -> memref<262144xf32, #tpu.memory_space<hbm>>
    tpu.wait_dma2 semaphore(%arg6 : memref<!tpu.dma_semaphore, #tpu.memory_space<semaphore_mem>>) src(%dma_wait3A_363 : memref<262144xf32, #tpu.memory_space<hbm>>) dst(%dma_wait3A_360 : memref<262144xf32, #tpu.memory_space<hbm>>)
    %dma_wait3A_364 = arith.constant 0 : i32
    %dma_wait3A_365 = tpu.memref_slice %arg4[%add3A_280, %dma_wait3A_364] : memref<192x262144xf32, #tpu.memory_space<hbm>> -> memref<1x262144xf32, #tpu.memory_space<hbm>>
    %dma_wait3A_366 = tpu.memref_squeeze %dma_wait3A_365 : memref<1x262144xf32, #tpu.memory_space<hbm>> -> memref<262144xf32, #tpu.memory_space<hbm>>
    %dma_wait3A_367 = arith.constant 0 : i32
    %dma_wait3A_368 = tpu.memref_slice %arg2[%add3A_328, %dma_wait3A_367] : memref<192x262144xf32, #tpu.memory_space<hbm>> -> memref<1x262144xf32, #tpu.memory_space<hbm>>
    %dma_wait3A_369 = tpu.memref_squeeze %dma_wait3A_368 : memref<1x262144xf32, #tpu.memory_space<hbm>> -> memref<262144xf32, #tpu.memory_space<hbm>>
    tpu.wait_dma2 semaphore(%arg6 : memref<!tpu.dma_semaphore, #tpu.memory_space<semaphore_mem>>) src(%dma_wait3A_369 : memref<262144xf32, #tpu.memory_space<hbm>>) dst(%dma_wait3A_366 : memref<262144xf32, #tpu.memory_space<hbm>>)
    return
  }
}

</mosaic_0001>

<sc_bundles>
// kernel: kernel.3.cloned.1.call-start
scs
__scs_entry_jumppad:
0x0: {  	(pc) =	sbr.rel $0x88, $3  }
0x1: {  	(tag) =	ssettag $0x0;
	lr =	simm.s32 $0x1  }
0x2: {  	[smem:$0x3F9F] =	sst lr;
	_ =	strace $0xD0000000  }
0x3: {  	_ = 	snop  }
0x4: {  	_ = 	snop  }
0x5: {  	_ = 	snop  }
0x6: {  	_ = 	snop  }
0x7: {  	_ = 	snop  }
__scs_overlays_trampoline_lowered:
0x8: {  	[smem:$0x3FAE] =	sst s0  }
0x9: {  	[smem:$0x3FAF] =	sst s1  }
0xa: {  	[smem:$0x3FB0] =	sst s2  }
0xb: {  	[smem:$0x3FB1] =	sst s3  }
0xc: {  	[smem:$0x3FB2] =	sst s4  }
0xd: {  	[smem:$0x3FB3] =	sst s5  }
0xe: {  	[smem:$0x3FB4] =	sst s6  }
0xf: {  	[smem:$0x3FB5] =	sst s7  }
0x10: {  	[smem:$0x3FB6] =	sst s8  }
0x11: {  	[smem:$0x3FB7] =	sst s9;
	s0 =	simm.s32 @!p0 $0x0  }
0x12: {  	s1 =	sld [smem:$0x3F9D];
	s0 =	simm.s32 @p0 $0x1  }
0x13: {  	[smem:$0x3FB8] =	sst s0;
	s0 =	simm.s32 @!p1 $0x0  }
0x14: {  	s2 =	sld [smem:$0x3F9C];
	s0 =	simm.s32 @p1 $0x1  }
0x15: {  	[smem:$0x3FB9] =	sst s0;
	s0 =	simm.s32 @!p2 $0x0  }
0x16: {  	s3 =	sld [smem:$0x3FDB];
	s0 =	simm.s32 @p2 $0x1  }
0x17: {  	s4 =	simm.s32 $0x1BF5;
	[smem:$0x3FBB] =	sst s0  }
0x18: {  	s0 =	sld [smem:$0x3F9E];
	_ =	swait.ge [sflag:s4], $0x0  }
0x19: {  	s7 =	sld [smem:$0x3F9F]  }
0x1a: {  	s8 =	sadd.s32 $0xFFFFE003, lr  }
0x1b: {  	s9 =	sadd.s32 $0xFFFFFEF7, lr;
	s5 =	simm.s32 $0xFFFFFFFF;
	p2 =	slt.u32 s8, $0xFFFFF086  }
0x1c: {  	p1 =	slt.u32 s9, $0xF7A;
	s5 =	simm.s32 @!p2 $0x0  }
0x1d: {  	s5 =	simm.s32 @p1 $0x1;
	p0 =	seq.s32 s7, s2  }
0x1e: {  	s7 =	smul.u32 @!p0 $0xF7A, s2;
	p2 =	seq.s32 @!p0 s5, $0x0  }
0x1f: {  	s9 =	smul.u32 $0xF7A, s1;
	s8 =	simm.s32 @!p0 $0x1BF5;
	p2 =	por !p2, p0  }
0x20: {  	[sflag:s8] =	ssyncset.s32 @!p0 $0xFFFFF086;
	s6 =	sadd.s32 @!p0 s3, s7;
	s7 =	simm.s32 @!p0 $0x108  }
0x21: {  	s3 =	sadd.s32 s3, s9;
	s6 =	sadd.s32 @!p0 $0x88, s6;
	s7 =	simm.s32 @p2 $0x1082  }
0x22: {  	[simem:s7], [sflag:s8] =	dma.local @!p0 [hbm:s6], $0xF7A  }
0x23: {  	s9 =	sor.u32 $0xD0000000, s2;
	s6 =	simm.s32 $0x108;
	_ =	swait.ge @!p0 [sflag:s8], $0x0  }
0x24: {  	s3 =	sadd.s32 $0x88, s3;
	s6 =	simm.s32 @!p1 $0x1082;
	[sflag:s4] =	ssyncset.s32 $0xFFFFF086  }
0x25: {  	[simem:s6], [sflag:s4] =	dma.local [hbm:s3], $0xF7A  }
0x26: {  	[smem:$0x3F9F] =	sst s1;
	(tag) =	ssettag s2;
	_ =	strace s9  }
0x27: {  	s1 =	sld [smem:$0x3FAF]  }
0x28: {  	s2 =	sld [smem:$0x3FB0]  }
0x29: {  	s4 =	sld [smem:$0x3FB2]  }
0x2a: {  	p0 =	seq.s32 s5, $0x0;
	s5 =	sld [smem:$0x3FB3]  }
0x2b: {  	s6 =	sld [smem:$0x3FB4]  }
0x2c: {  	s7 =	sld [smem:$0x3FB5]  }
0x2d: {  	s3 =	simm.s32 $0x108;
	s8 =	sld [smem:$0x3FB6]  }
0x2e: {  	s3 =	simm.s32 @!p0 $0x1082;
	s9 =	sld [smem:$0x3FB7]  }
0x2f: {  	lr =	sadd.s32 s0, s3;
	s0 =	sld [smem:$0x3FAE]  }
0x30: {  	s3 =	sld [smem:$0x3FB1]  }
0x31: {  	[smem:$0x3FBA] =	sst s10  }
0x32: {  	s10 =	sld [smem:$0x3FB8];
	_ =	sdelay $0x3  }
0x33: {  	p0 =	seq.s32 s10, $0x1;
	s10 =	sld [smem:$0x3FBA];
	_ =	sdelay $0x3  }
0x34: {  	[smem:$0x3FBA] =	sst s10  }
0x35: {  	s10 =	sld [smem:$0x3FB9];
	_ =	sdelay $0x3  }
0x36: {  	p1 =	seq.s32 s10, $0x1;
	s10 =	sld [smem:$0x3FBA];
	_ =	sdelay $0x3  }
0x37: {  	[smem:$0x3FBA] =	sst s10  }
0x38: {  	s10 =	sld [smem:$0x3FBB]  }
0x39: {  	_ = 	snop;
	(pc) =	sbr.ind lr, $3  }
0x3a: {  	_ = 	snop  }
0x3b: {  	_ = 	snop  }
0x3c: {  	p2 =	seq.s32 s10, $0x1;
	s10 =	sld [smem:$0x3FBA]  }
0x3d: {  	_ =	shalt  }
0x3e: {  	_ =	shalt  }
0x3f: {  	_ =	shalt  }
0x40: {  	_ =	shalt  }
0x41: {  	_ =	shalt  }
0x42: {  	_ =	shalt  }
0x43: {  	_ =	shalt  }
0x44: {  	_ =	shalt  }
0x45: {  	_ =	shalt  }
0x46: {  	_ =	shalt  }
0x47: {  	_ =	shalt  }
0x48: {  	_ =	shalt  }
0x49: {  	_ =	shalt  }
0x4a: {  	_ =	shalt  }
0x4b: {  	_ =	shalt  }
0x4c: {  	_ =	shalt  }
0x4d: {  	_ =	shalt  }
0x4e: {  	_ =	shalt  }
0x4f: {  	_ =	shalt  }
0x50: {  	_ =	shalt  }
0x51: {  	_ =	shalt  }
0x52: {  	_ =	shalt  }
0x53: {  	_ =	shalt  }
0x54: {  	_ =	shalt  }
0x55: {  	_ =	shalt  }
0x56: {  	_ =	shalt  }
0x57: {  	_ =	shalt  }
0x58: {  	_ =	shalt  }
0x59: {  	_ =	shalt  }
0x5a: {  	_ =	shalt  }
0x5b: {  	_ =	shalt  }
0x5c: {  	_ =	shalt  }
0x5d: {  	_ =	shalt  }
0x5e: {  	_ =	shalt  }
0x5f: {  	_ =	shalt  }
0x60: {  	_ =	shalt  }
0x61: {  	_ =	shalt  }
0x62: {  	_ =	shalt  }
0x63: {  	_ =	shalt  }
0x64: {  	_ =	shalt  }
0x65: {  	_ =	shalt  }
0x66: {  	_ =	shalt  }
0x67: {  	_ =	shalt  }
0x68: {  	_ =	shalt  }
0x69: {  	_ =	shalt  }
0x6a: {  	_ =	shalt  }
0x6b: {  	_ =	shalt  }
0x6c: {  	_ =	shalt  }
0x6d: {  	_ =	shalt  }
0x6e: {  	_ =	shalt  }
0x6f: {  	_ =	shalt  }
0x70: {  	_ =	shalt  }
0x71: {  	_ =	shalt  }
0x72: {  	_ =	shalt  }
0x73: {  	_ =	shalt  }
0x74: {  	_ =	shalt  }
0x75: {  	_ =	shalt  }
0x76: {  	_ =	shalt  }
0x77: {  	_ =	shalt  }
0x78: {  	_ =	shalt  }
0x79: {  	_ =	shalt  }
0x7a: {  	_ =	shalt  }
0x7b: {  	_ =	shalt  }
0x7c: {  	_ =	shalt  }
0x7d: {  	_ =	shalt  }
0x7e: {  	_ =	shalt  }
0x7f: {  	_ =	shalt  }
0x80: {  	_ =	shalt  }
0x81: {  	_ =	shalt  }
0x82: {  	_ =	shalt  }
0x83: {  	_ =	shalt  }
0x84: {  	_ =	shalt  }
0x85: {  	_ =	shalt  }
0x86: {  	_ =	shalt  }
0x87: {  	_ =	shalt  }
.Lfunc_end0:
.L_simem_size_0:
called_computation.1_lowered:
.L_overlay_start_0:
0x88: {  	s2 =	sld [smem:$0x3FD9]  }
0x89: {  	s3 =	sld [smem:$0x3FFE];
	_ =	sdelay $0x1  }
0x8a: {  	s1 =	srdreg.scid  }
0x8b: {  	s0 =	sand.u32 $0x1, s1  }
0x8c: {  	s17 =	sshll.u32 s0, $0xA;
	s2 =	sadd.s32 s3, s2  }
0x8d: {  	s2 =	sadd.s32 s2, s17  }
0x8e: {  	[smem:$0x3FC6] =	sst s2  }
0x8f: {  	_ = 	snop  }
0x90: {  	s2 =	sld [smem:$0x3FD0];
	(tm) =	ssettm $0x1  }
0x91: {  	s18 =	sld [smem:$0x3FFB];
	_ =	sdelay $0x3  }
0x92: {  	_ =	strace s18  }
0x93: {  	s3 =	sld [smem:$0x3FFC];
	_ =	sdelay $0x3  }
0x94: {  	_ =	strace s3  }
0x95: {  	s3 =	sld [smem:$0x3FFD];
	_ =	sdelay $0x3  }
0x96: {  	_ =	strace s3  }
0x97: {  	_ =	strace $0x8FFFFFFF  }
0x98: {  	s19 =	sld [smem:$0x3FDB];
	_ =	sdelay $0x1  }
0x99: {  	s4 =	simm.s32 $_scs_section_size  }
0x9a: {  	s5 =	simm.s32 $_size__tile_overlayer_lowered;
	s6 =	simm.s32 $_tile_overlayer_lowered  }
0x9b: {  	s22 =	simm.s32 $0x1BFF;
	s21 =	sshll.u32 s6, $0x1;
	s3 =	sadd.s32 s4, s19  }
0x9c: {  	s7 =	simm.s32 $0x0;
	s20 =	sshll.u32 s5, $0x1;
	s5 =	sadd.s32 s21, s3  }
0x9d: {  	[timem:s7], [sflag:s22] =	dma.local [hbm:s5], s20  }
0x9e: {  	_ =	swait.ge [sflag:s22], s20  }
0x9f: {  	s4 =	ssub.s32 $0x0, s20;
	[sflag:s22] =	ssyncset.done $0x0  }
0xa0: {  	[sflag:s22] =	ssyncadd.s32 s4;
	_ =	sdelay $0x1  }
0xa1: {  	s23 =	simm.s32 $0x1B8B  }
0xa2: {  	_ =	swait.ge [sflag:s23], $0x1  }
0xa3: {  	[sflag:s23] =	ssyncset.done $0x0  }
0xa4: {  	s25 =	simm.s32 $0x1B8E;
	s24 =	sld [smem:$0x3FFE];
	[sflag:s23] =	ssyncadd.s32 $0xFFFFFFFF  }
0xa5: {  	s26 =	simm.s32 $execute0_lowered;
	[smem:$0x3FD2] =	sst s25  }
0xa6: {  	s5 =	sshll.u32 s26, $0x1;
	_ =	strace $0x80000049;
	[dreg:$0x1] =	wrdreg $0xFFFFFFFF  }
0xa7: {  	s28 =	simm.s32 $_size_execute0_lowered;
	s3 =	sadd.s32 s3, s5;
	[dreg:$0x0] =	wrdreg $0x0  }
0xa8: {  	s5 =	sshll.u32 s28, $0x1;
	[dreg:$0x2] =	wrdreg s3  }
0xa9: {  	[dreg:$0x3] =	wrdreg s5  }
0xaa: {  	[dreg:$0x4] =	wrdreg $0xC0  }
0xab: {  	_ =	task [dreg:s7], $0x5FFFF  }
0xac: {  	[dreg:$0x1] =	wrdreg $0xFFFFFFFF  }
0xad: {  	[dreg:$0x0] =	wrdreg $0x60  }
0xae: {  	[dreg:$0x2] =	wrdreg s2  }
0xaf: {  	[dreg:$0x3] =	wrdreg s24  }
0xb0: {  	[dreg:$0x4] =	wrdreg $0x9  }
0xb1: {  	_ =	task.clear_ibuf [dreg:s7], $0x5FFFF;
	_ =	strace $0x90000049  }
0xb2: {  	s29 =	simm.s32 $0x9;
	_ =	strace $0x8000004B  }
0xb3: {  	_ =	swait.ge [sflag:s29], $0x1  }
0xb4: {  	[sflag:s29] =	ssyncadd.s32 $0xFFFFFFFF  }
0xb5: {  	_ =	strace $0x9000004B  }
0xb6: {  	_ =	sfence  }
0xb7: {  	s30 =	sld [smem:$0x0];
	_ =	sdelay $0x2  }
0xb8: {  	s31 =	sshll.u32 s1, $0xD;
	s1 =	sshrl.u32 s1, $0x2  }
0xb9: {  	s3 =	sand.u32 $0x4000, s31;
	s1 =	sadd.s32 s1, s30  }
0xba: {  	s0 =	sor.u32 s3, s0;
	s1 =	sshll.u32 s1, $0x11  }
0xbb: {  	s0 =	sor.u32 s1, s0  }
0xbc: {  	s0 =	sadd.s32 $0x8F2B, s0  }
0xbd: {  	[sflag:s0] =	ssyncadd.remote.s32 $0x1  }
0xbe: {  	_ =	sfence.sel $0xFFFF  }
0xbf: {  	[dreg:$0x0] =	wrdreg $0xFFFFFFFF;
	(pc) =	sbr.abs _section_cstart, $3  }
0xc0: {  	[dreg:$0x1] =	wrdreg $0xFFFFFFFF  }
0xc1: {  	_ =	task.clear_ibuf [dreg:s7], $0x2FFFF;
	_ =	strace $0x9FFFFFFF  }
0xc2: {  	(tm) =	ssettm $0x7FFFFFFF  }
0xc3: {  	_ =	shalt  }
tec
execute0_lowered:
.L_overlay_start_1:
0x0: {  	(tag) =	ssettag $0x1  }
0x1: {  	s1 =	srdreg.scid;
	s0 =	stileid.u32  }
0x2: {  	s2 =	rddreg [dreg:$0x0];
	s3 =	sand.u32 $0x1, s1;
	s14 =	sshll.u32 s0, $0x1  }
0x3: {  	s7 =	rddreg [dreg:$0x1];
	s5 =	sor.u32 s3, s14  }
0x4: {  	s6 =	simm.s32 $0x0;
	s1 =	rddreg [dreg:$0x2];
	s4 =	smul.u32 $0x6, s5  }
0x5: {  	p0 =	por $0x0, $0x0;
	[smem:$0x7FF] =	sst s6;
	s8 =	smul.u32 $0x180000, s5  }
0x6: {  	s9 =	sadd.s32 $0xA00, s7;
	s7 =	sadd.s32 $0xC00, s7;
	s5 =	smul.u32 $0x300, s5  }
0x7: {  	_ =	strace $0x8000004A;
	[dreg:$0x3] =	wrdreg s9;
	s3 =	ssub.s32 $0x2, s3  }
0x8: {  	s10 =	sor.u32 $0x1, s4;
	s8 =	sand.u32 $0x7FE00000, s8;
	s5 =	sand.u32 $0x300, s5  }
0x9: {  	s18 =	sadd.s32 $0x2, s4;
	s24 =	sadd.s32 $0x3, s4;
	s31 =	sadd.s32 $0x4, s4  }
0xa: {  	s11 =	sshll.u32 s10, $0x7;
	s5 =	sor.u32 s5, s8;
	s16 =	smulhi.u32 $0xAAAAAAAB, s10  }
0xb: {  	s20 =	sshll.u32 s18, $0x12;
	s12 =	sshll.u32 s18, $0x7;
	s23 =	smulhi.u32 $0xAAAAAAAB, s18  }
0xc: {  	s26 =	sshll.u32 s24, $0x12;
	s13 =	sshll.u32 s24, $0x7;
	s30 =	smulhi.u32 $0xAAAAAAAB, s24  }
0xd: {  	s14 =	sshll.u32 s31, $0x7;
	s15 =	sand.u32 $0x380, s11;
	s5 =	sshrl.u32 s5, $0x3  }
0xe: {  	s9 =	sand.u32 $0x7FE00000, s20;
	s12 =	sand.u32 $0x300, s12;
	s13 =	sand.u32 $0x380, s13  }
0xf: {  	s14 =	sand.u32 $0x300, s14;
	s8 =	sor.u32 s8, s15;
	s5 =	sadd.s32 s7, s5  }
0x10: {  	s19 =	sshrl.u32 s16, $0x1;
	s21 =	sor.u32 s12, s9;
	s25 =	sshrl.u32 s23, $0x1  }
0x11: {  	s23 =	sadd.s32 $0x5, s4;
	s8 =	sshrl.u32 s8, $0x3;
	s9 =	smul.u32 $0x3, s25  }
0x12: {  	[dreg:$0x4] =	wrdreg s5;
	s5 =	sshrl.u32 s21, $0x3;
	s21 =	smulhi.u32 $0xAAAAAAAB, s31  }
0x13: {  	s15 =	sshll.u32 s23, $0x7;
	s16 =	smulhi.u32 $0xAAAAAAAB, s23;
	s17 =	sadd.s32 s7, s8  }
0x14: {  	s8 =	smul.u32 $0x3, s19;
	s5 =	sadd.s32 s7, s5;
	[dreg:$0x5] =	wrdreg s17  }
0x15: {  	[dreg:$0x7] =	wrdreg s5;
	s29 =	ssub.s32 s18, s9;
	s17 =	sshrl.u32 s30, $0x1  }
0x16: {  	s18 =	sshll.u32 s31, $0x12;
	s30 =	sshrl.u32 s3, $0x1;
	s22 =	ssub.s32 s10, s8  }
0x17: {  	s10 =	sand.u32 $0x7FE00000, s26;
	[dreg:$0x8] =	wrdreg s29;
	s11 =	sand.u32 $0x7FE00000, s18  }
0x18: {  	s26 =	sand.u32 $0x380, s15;
	s3 =	ssub.s32 s3, s30;
	[dreg:$0x6] =	wrdreg s22  }
0x19: {  	s28 =	sor.u32 s13, s10;
	s10 =	smul.u32 $0x3, s17;
	s22 =	sshrl.u32 s21, $0x1  }
0x1a: {  	s19 =	sor.u32 s14, s11;
	s5 =	sshrl.u32 s28, $0x3;
	s11 =	smul.u32 $0x3, s22  }
0x1b: {  	s28 =	sshrl.u32 s16, $0x1;
	s5 =	sadd.s32 s7, s5;
	s20 =	ssub.s32 s24, s10  }
0x1c: {  	s24 =	sshll.u32 s23, $0x12;
	[dreg:$0x9] =	wrdreg s5;
	s13 =	ssub.s32 s31, s11  }
0x1d: {  	s5 =	sshrl.u32 s19, $0x3;
	[dreg:$0xc] =	wrdreg s13;
	s13 =	smax.u32 s3, $0x1  }
0x1e: {  	s25 =	sand.u32 $0x7FE00000, s24;
	s5 =	sadd.s32 s7, s5;
	p1 =	sne.s32 s13, $0x1  }
.Ltmp0:
0x1f: {  	[dreg:$0xb] =	wrdreg s5;
	s5 =	sor.u32 s26, s25;
	(pc) =	sbr.rel @!p1 .LBB2_3-.Ltmp0, $4  }
0x20: {  	s15 =	rddreg [dreg:$0x3];
	s29 =	sshrl.u32 s5, $0x3;
	s5 =	smul.u32 $0x3, s28  }
0x21: {  	s12 =	simm.s32 $0x2;
	[dreg:$0xa] =	wrdreg s20;
	s7 =	sadd.s32 s7, s29  }
0x22: {  	s3 =	simm.s32 $0x1;
	[dreg:$0xd] =	wrdreg s7;
	s31 =	ssub.s32 s23, s5  }
0x23: {  	s14 =	sadd.s32 $0xFFFFFFFF, s13;
	s7 =	simm.s32 $0x80;
	[dreg:$0xe] =	wrdreg s31  }
0x24: {  	[tilespmem:s6], [sflag:$0x2] =	stream.linear.gather [hbm4b:s15+s6], $0x80, $0x38;
	[tilespmem:$0x80] =	vst v63  }
0x25: {  	_ =	swait.ge [sflag:s12], $0x80  }
0x26: {  	[sflag:s12] =	ssyncset.done $0x0  }
0x27: {  	[sflag:s12] =	ssyncadd.s32 $0xFFFFFF80  }
0x28: {  	v0 =	vld [tilespmem:$0x0];
	_ =	sdelay $0x4  }
0x29: {  	(v2sf) =	vpush v0, $0x0;
	_ =	sdelay $0xe  }
0x2a: {  	s13 =	spop (v2sf)  }
0x2b: {  	s13 =	sadd.s32 s4, s13  }
0x2c: {  	s30 =	sshll.u32 s13, $0x12;
	s13 =	sshll.u32 s13, $0x7  }
0x2d: {  	s15 =	sand.u32 $0xFFE00000, s30;
	s13 =	sand.u32 $0x380, s13  }
0x2e: {  	s13 =	sor.u32 s13, s15  }
0x2f: {  	s16 =	sshll.u32 s0, $0x6;
	s13 =	sshrl.u32 s13, $0x3  }
0x30: {  	s31 =	rddreg [dreg:$0x4];
	s17 =	sadd.s32 s2, s13;
	s13 =	sadd.s32 $0x1C01, s16  }
0x31: {  	[hbm:s31@s7], [sflag:s13] =	dma.strided [hbm:s17@s7], $0x8000, s3, $0x10   }
0x32: {  	s15 =	rddreg [dreg:$0x6]  }
0x33: {  	v59 =	vld [tilespmem:s15+$0x0];
	_ =	sdelay $0x4  }
0x34: {  	(v2sf) =	vpush v59, $0x0;
	_ =	sdelay $0xe  }
0x35: {  	s16 =	spop (v2sf)  }
0x36: {  	s15 =	sadd.s32 s8, s16  }
0x37: {  	s17 =	sshll.u32 s15, $0x12;
	s15 =	sshll.u32 s15, $0x7  }
0x38: {  	s16 =	sand.u32 $0xFFE00000, s17;
	s15 =	sand.u32 $0x380, s15  }
0x39: {  	s15 =	sor.u32 s15, s16  }
0x3a: {  	s15 =	sshrl.u32 s15, $0x3  }
0x3b: {  	s18 =	rddreg [dreg:$0x5];
	s15 =	sadd.s32 s2, s15  }
0x3c: {  	[hbm:s18@s7], [sflag:s13] =	dma.strided [hbm:s15@s7], $0x8000, s3, $0x10   }
0x3d: {  	s15 =	rddreg [dreg:$0x8]  }
0x3e: {  	v60 =	vld [tilespmem:s15+$0x0];
	_ =	sdelay $0x4  }
0x3f: {  	(v2sf) =	vpush v60, $0x0;
	_ =	sdelay $0xe  }
0x40: {  	s19 =	spop (v2sf)  }
0x41: {  	s15 =	sadd.s32 s9, s19  }
0x42: {  	s20 =	sshll.u32 s15, $0x12;
	s15 =	sshll.u32 s15, $0x7  }
0x43: {  	s16 =	sand.u32 $0xFFE00000, s20;
	s15 =	sand.u32 $0x380, s15  }
0x44: {  	s15 =	sor.u32 s15, s16  }
0x45: {  	s15 =	sshrl.u32 s15, $0x3  }
0x46: {  	s21 =	rddreg [dreg:$0x7];
	s15 =	sadd.s32 s2, s15  }
0x47: {  	[hbm:s21@s7], [sflag:s13] =	dma.strided [hbm:s15@s7], $0x8000, s3, $0x10   }
0x48: {  	s15 =	rddreg [dreg:$0xa]  }
0x49: {  	v61 =	vld [tilespmem:s15+$0x0];
	_ =	sdelay $0x4  }
0x4a: {  	(v2sf) =	vpush v61, $0x0;
	_ =	sdelay $0xe  }
0x4b: {  	s22 =	spop (v2sf)  }
0x4c: {  	s15 =	sadd.s32 s10, s22  }
0x4d: {  	s23 =	sshll.u32 s15, $0x12;
	s15 =	sshll.u32 s15, $0x7  }
0x4e: {  	s16 =	sand.u32 $0xFFE00000, s23;
	s15 =	sand.u32 $0x380, s15  }
0x4f: {  	s15 =	sor.u32 s15, s16  }
0x50: {  	s15 =	sshrl.u32 s15, $0x3  }
0x51: {  	s24 =	rddreg [dreg:$0x9];
	s15 =	sadd.s32 s2, s15  }
0x52: {  	[hbm:s24@s7], [sflag:s13] =	dma.strided [hbm:s15@s7], $0x8000, s3, $0x10   }
0x53: {  	s15 =	rddreg [dreg:$0xc]  }
0x54: {  	v62 =	vld [tilespmem:s15+$0x0];
	_ =	sdelay $0x4  }
0x55: {  	(v2sf) =	vpush v62, $0x0;
	_ =	sdelay $0xe  }
0x56: {  	s25 =	spop (v2sf)  }
0x57: {  	s15 =	sadd.s32 s11, s25  }
0x58: {  	s26 =	sshll.u32 s15, $0x12;
	s15 =	sshll.u32 s15, $0x7  }
0x59: {  	s16 =	sand.u32 $0xFFE00000, s26;
	s15 =	sand.u32 $0x380, s15  }
0x5a: {  	s15 =	sor.u32 s15, s16  }
0x5b: {  	s15 =	sshrl.u32 s15, $0x3  }
0x5c: {  	s28 =	rddreg [dreg:$0xb];
	s15 =	sadd.s32 s2, s15  }
0x5d: {  	[hbm:s28@s7], [sflag:s13] =	dma.strided [hbm:s15@s7], $0x8000, s3, $0x10   }
0x5e: {  	s15 =	rddreg [dreg:$0xe]  }
0x5f: {  	v63 =	vld [tilespmem:s15+$0x0];
	_ =	sdelay $0x4  }
0x60: {  	(v2sf) =	vpush v63, $0x0;
	_ =	sdelay $0xe  }
0x61: {  	s29 =	spop (v2sf)  }
0x62: {  	s15 =	sadd.s32 s5, s29  }
0x63: {  	s30 =	sshll.u32 s15, $0x12;
	s15 =	sshll.u32 s15, $0x7  }
0x64: {  	s16 =	sand.u32 $0xFFE00000, s30;
	s15 =	sand.u32 $0x380, s15  }
0x65: {  	s15 =	sor.u32 s15, s16  }
0x66: {  	s15 =	sshrl.u32 s15, $0x3  }
0x67: {  	s31 =	rddreg [dreg:$0xd];
	s15 =	sadd.s32 s2, s15  }
0x68: {  	[hbm:s31@s7], [sflag:s13] =	dma.strided [hbm:s15@s7], $0x8000, s3, $0x10   }
0x69: {  	_ =	swait.ge [sflag:s3], $0x8000  }
0x6a: {  	[sflag:s3] =	ssyncset.done $0x0  }
0x6b: {  	[sflag:s3] =	ssyncadd.s32 $0xFFFF8000  }
0x6c: {  	_ =	swait.ge [sflag:s3], $0x8000  }
0x6d: {  	[sflag:s3] =	ssyncset.done $0x0  }
0x6e: {  	[sflag:s3] =	ssyncadd.s32 $0xFFFF8000  }
0x6f: {  	_ =	swait.ge [sflag:s3], $0x8000  }
0x70: {  	[sflag:s3] =	ssyncset.done $0x0  }
0x71: {  	[sflag:s3] =	ssyncadd.s32 $0xFFFF8000  }
0x72: {  	_ =	swait.ge [sflag:s3], $0x8000  }
0x73: {  	[sflag:s3] =	ssyncset.done $0x0  }
0x74: {  	p1 =	sne.s32 s14, $0x1;
	[sflag:s3] =	ssyncadd.s32 $0xFFFF8000  }
.Ltmp1:
0x75: {  	_ =	swait.ge [sflag:s3], $0x8000;
	(pc) =	sbr.rel @!p1 .LBB2_3-.Ltmp1, $4  }
0x76: {  	[sflag:s3] =	ssyncset.done $0x0  }
0x77: {  	[sflag:s3] =	ssyncadd.s32 $0xFFFF8000  }
0x78: {  	s14 =	sadd.s32 $0xFFFFFFFF, s14;
	_ =	swait.ge [sflag:s3], $0x8000  }
0x79: {  	p0 =	por $0x1, $0x1;
	s15 =	rddreg [dreg:$0x3];
	[sflag:s3] =	ssyncset.done $0x0  }
.LBB2_2:
0x7a: {  	[sflag:s3] =	ssyncadd.s32 $0xFFFF8000  }
0x7b: {  	[tilespmem:s6], [sflag:$0x2] =	stream.linear.gather [hbm4b:s15+s6], $0x80, $0x38;
	[tilespmem:$0x80] =	vst v63  }
0x7c: {  	_ =	swait.ge [sflag:s12], $0x80  }
0x7d: {  	[sflag:s12] =	ssyncset.done $0x0  }
0x7e: {  	[sflag:s12] =	ssyncadd.s32 $0xFFFFFF80  }
0x7f: {  	v0 =	vld [tilespmem:$0x0];
	_ =	sdelay $0x4  }
0x80: {  	(v2sf) =	vpush v0, $0x0;
	_ =	sdelay $0xe  }
0x81: {  	s30 =	spop (v2sf)  }
0x82: {  	s15 =	sadd.s32 s4, s30  }
0x83: {  	s16 =	sshll.u32 s15, $0x12;
	s15 =	sshll.u32 s15, $0x7  }
0x84: {  	s16 =	sand.u32 $0xFFE00000, s16;
	s15 =	sand.u32 $0x380, s15  }
0x85: {  	s15 =	sor.u32 s15, s16  }
0x86: {  	s15 =	sshrl.u32 s15, $0x3  }
0x87: {  	s31 =	rddreg [dreg:$0x4];
	s15 =	sadd.s32 s2, s15  }
0x88: {  	[hbm:s31@s7], [sflag:s13] =	dma.strided [hbm:s15@s7], $0x8000, s3, $0x10   }
0x89: {  	s15 =	rddreg [dreg:$0x6]  }
0x8a: {  	v59 =	vld [tilespmem:s15+$0x0];
	_ =	sdelay $0x4  }
0x8b: {  	(v2sf) =	vpush v59, $0x0;
	_ =	sdelay $0xe  }
0x8c: {  	s16 =	spop (v2sf)  }
0x8d: {  	s15 =	sadd.s32 s8, s16  }
0x8e: {  	s17 =	sshll.u32 s15, $0x12;
	s15 =	sshll.u32 s15, $0x7  }
0x8f: {  	s16 =	sand.u32 $0xFFE00000, s17;
	s15 =	sand.u32 $0x380, s15  }
0x90: {  	s15 =	sor.u32 s15, s16  }
0x91: {  	s15 =	sshrl.u32 s15, $0x3  }
0x92: {  	s18 =	rddreg [dreg:$0x5];
	s15 =	sadd.s32 s2, s15  }
0x93: {  	[hbm:s18@s7], [sflag:s13] =	dma.strided [hbm:s15@s7], $0x8000, s3, $0x10   }
0x94: {  	s15 =	rddreg [dreg:$0x8]  }
0x95: {  	v60 =	vld [tilespmem:s15+$0x0];
	_ =	sdelay $0x4  }
0x96: {  	(v2sf) =	vpush v60, $0x0;
	_ =	sdelay $0xe  }
0x97: {  	s19 =	spop (v2sf)  }
0x98: {  	s15 =	sadd.s32 s9, s19  }
0x99: {  	s20 =	sshll.u32 s15, $0x12;
	s15 =	sshll.u32 s15, $0x7  }
0x9a: {  	s16 =	sand.u32 $0xFFE00000, s20;
	s15 =	sand.u32 $0x380, s15  }
0x9b: {  	s15 =	sor.u32 s15, s16  }
0x9c: {  	s15 =	sshrl.u32 s15, $0x3  }
0x9d: {  	s21 =	rddreg [dreg:$0x7];
	s15 =	sadd.s32 s2, s15  }
0x9e: {  	[hbm:s21@s7], [sflag:s13] =	dma.strided [hbm:s15@s7], $0x8000, s3, $0x10   }
0x9f: {  	s15 =	rddreg [dreg:$0xa]  }
0xa0: {  	v61 =	vld [tilespmem:s15+$0x0];
	_ =	sdelay $0x4  }
0xa1: {  	(v2sf) =	vpush v61, $0x0;
	_ =	sdelay $0xe  }
0xa2: {  	s22 =	spop (v2sf)  }
0xa3: {  	s15 =	sadd.s32 s10, s22  }
0xa4: {  	s23 =	sshll.u32 s15, $0x12;
	s15 =	sshll.u32 s15, $0x7  }
0xa5: {  	s16 =	sand.u32 $0xFFE00000, s23;
	s15 =	sand.u32 $0x380, s15  }
0xa6: {  	s15 =	sor.u32 s15, s16  }
0xa7: {  	s15 =	sshrl.u32 s15, $0x3  }
0xa8: {  	s24 =	rddreg [dreg:$0x9];
	s15 =	sadd.s32 s2, s15  }
0xa9: {  	[hbm:s24@s7], [sflag:s13] =	dma.strided [hbm:s15@s7], $0x8000, s3, $0x10   }
0xaa: {  	s15 =	rddreg [dreg:$0xc]  }
0xab: {  	v62 =	vld [tilespmem:s15+$0x0];
	_ =	sdelay $0x4  }
0xac: {  	(v2sf) =	vpush v62, $0x0;
	_ =	sdelay $0xe  }
0xad: {  	s25 =	spop (v2sf)  }
0xae: {  	s15 =	sadd.s32 s11, s25  }
0xaf: {  	s26 =	sshll.u32 s15, $0x12;
	s15 =	sshll.u32 s15, $0x7  }
0xb0: {  	s16 =	sand.u32 $0xFFE00000, s26;
	s15 =	sand.u32 $0x380, s15  }
0xb1: {  	s15 =	sor.u32 s15, s16  }
0xb2: {  	s15 =	sshrl.u32 s15, $0x3  }
0xb3: {  	s28 =	rddreg [dreg:$0xb];
	s15 =	sadd.s32 s2, s15  }
0xb4: {  	[hbm:s28@s7], [sflag:s13] =	dma.strided [hbm:s15@s7], $0x8000, s3, $0x10   }
0xb5: {  	s15 =	rddreg [dreg:$0xe]  }
0xb6: {  	v63 =	vld [tilespmem:s15+$0x0];
	_ =	sdelay $0x4  }
0xb7: {  	(v2sf) =	vpush v63, $0x0;
	_ =	sdelay $0xe  }
0xb8: {  	s29 =	spop (v2sf)  }
0xb9: {  	s15 =	sadd.s32 s5, s29  }
0xba: {  	s30 =	sshll.u32 s15, $0x12;
	s15 =	sshll.u32 s15, $0x7  }
0xbb: {  	s16 =	sand.u32 $0xFFE00000, s30;
	s15 =	sand.u32 $0x380, s15  }
0xbc: {  	s15 =	sor.u32 s15, s16  }
0xbd: {  	s15 =	sshrl.u32 s15, $0x3  }
0xbe: {  	s31 =	rddreg [dreg:$0xd];
	s15 =	sadd.s32 s2, s15  }
0xbf: {  	[hbm:s31@s7], [sflag:s13] =	dma.strided [hbm:s15@s7], $0x8000, s3, $0x10   }
0xc0: {  	_ =	swait.ge [sflag:s3], $0x8000  }
0xc1: {  	[sflag:s3] =	ssyncset.done $0x0  }
0xc2: {  	[sflag:s3] =	ssyncadd.s32 $0xFFFF8000  }
0xc3: {  	_ =	swait.ge [sflag:s3], $0x8000  }
0xc4: {  	[sflag:s3] =	ssyncset.done $0x0  }
0xc5: {  	[sflag:s3] =	ssyncadd.s32 $0xFFFF8000  }
0xc6: {  	_ =	swait.ge [sflag:s3], $0x8000  }
0xc7: {  	[sflag:s3] =	ssyncset.done $0x0  }
0xc8: {  	[sflag:s3] =	ssyncadd.s32 $0xFFFF8000  }
0xc9: {  	_ =	swait.ge [sflag:s3], $0x8000  }
0xca: {  	[sflag:s3] =	ssyncset.done $0x0  }
0xcb: {  	p1 =	sne.s32 s14, $0x1;
	[sflag:s3] =	ssyncadd.s32 $0xFFFF8000  }
.Ltmp2:
0xcc: {  	_ =	swait.ge [sflag:s3], $0x8000;
	(pc) =	sbr.rel @p1 .LBB2_2-.Ltmp2, $4  }
0xcd: {  	[sflag:s3] =	ssyncset.done $0x0  }
0xce: {  	[sflag:s3] =	ssyncadd.s32 $0xFFFF8000  }
0xcf: {  	_ =	swait.ge [sflag:s3], $0x8000  }
0xd0: {  	s14 =	sadd.s32 $0xFFFFFFFF, s14;
	s15 =	rddreg [dreg:$0x3];
	[sflag:s3] =	ssyncset.done $0x0  }
.LBB2_3:
0xd1: {  	[sflag:s3] =	ssyncadd.s32 @p0 $0xFFFF8000  }
0xd2: {  	[tilespmem:s6], [sflag:$0x2] =	stream.linear.gather [hbm4b:s15+s6], $0x80, $0x38;
	[tilespmem:$0x80] =	vst v63  }
0xd3: {  	_ =	swait.ge [sflag:s12], $0x80  }
0xd4: {  	[sflag:s12] =	ssyncset.done $0x0  }
0xd5: {  	[sflag:s12] =	ssyncadd.s32 $0xFFFFFF80  }
0xd6: {  	v0 =	vld [tilespmem:$0x0];
	_ =	sdelay $0x4  }
0xd7: {  	(v2sf) =	vpush v0, $0x0;
	_ =	sdelay $0xe  }
0xd8: {  	s13 =	spop (v2sf)  }
0xd9: {  	s4 =	sadd.s32 s4, s13  }
0xda: {  	s6 =	sshll.u32 s4, $0x12;
	s4 =	sshll.u32 s4, $0x7  }
0xdb: {  	s6 =	sand.u32 $0xFFE00000, s6;
	s4 =	sand.u32 $0x380, s4  }
0xdc: {  	s4 =	sor.u32 s4, s6  }
0xdd: {  	s15 =	sshll.u32 s0, $0x6;
	s4 =	sshrl.u32 s4, $0x3  }
0xde: {  	s16 =	sadd.s32 $0x1C01, s15;
	s14 =	rddreg [dreg:$0x4];
	s13 =	sadd.s32 s2, s4  }
0xdf: {  	[hbm:s14@s7], [sflag:s16] =	dma.strided [hbm:s13@s7], $0x8000, s3, $0x10   }
0xe0: {  	s6 =	rddreg [dreg:$0x6]  }
0xe1: {  	v59 =	vld [tilespmem:s6+$0x0];
	_ =	sdelay $0x4  }
0xe2: {  	(v2sf) =	vpush v59, $0x0;
	_ =	sdelay $0xe  }
0xe3: {  	s17 =	spop (v2sf)  }
0xe4: {  	s6 =	sadd.s32 s8, s17  }
0xe5: {  	s8 =	sshll.u32 s6, $0x12;
	s6 =	sshll.u32 s6, $0x7  }
0xe6: {  	s8 =	sand.u32 $0xFFE00000, s8;
	s6 =	sand.u32 $0x380, s6  }
0xe7: {  	s6 =	sor.u32 s6, s8  }
0xe8: {  	s6 =	sshrl.u32 s6, $0x3  }
0xe9: {  	s18 =	rddreg [dreg:$0x5];
	s6 =	sadd.s32 s2, s6  }
0xea: {  	[hbm:s18@s7], [sflag:s16] =	dma.strided [hbm:s6@s7], $0x8000, s3, $0x10   }
0xeb: {  	s6 =	rddreg [dreg:$0x8]  }
0xec: {  	v60 =	vld [tilespmem:s6+$0x0];
	_ =	sdelay $0x4  }
0xed: {  	(v2sf) =	vpush v60, $0x0;
	_ =	sdelay $0xe  }
0xee: {  	s19 =	spop (v2sf)  }
0xef: {  	s6 =	sadd.s32 s9, s19  }
0xf0: {  	s20 =	sshll.u32 s6, $0x12;
	s6 =	sshll.u32 s6, $0x7  }
0xf1: {  	s8 =	sand.u32 $0xFFE00000, s20;
	s6 =	sand.u32 $0x380, s6  }
0xf2: {  	s6 =	sor.u32 s6, s8  }
0xf3: {  	s6 =	sshrl.u32 s6, $0x3  }
0xf4: {  	s21 =	rddreg [dreg:$0x7];
	s6 =	sadd.s32 s2, s6  }
0xf5: {  	[hbm:s21@s7], [sflag:s16] =	dma.strided [hbm:s6@s7], $0x8000, s3, $0x10   }
0xf6: {  	s6 =	rddreg [dreg:$0xa]  }
0xf7: {  	v61 =	vld [tilespmem:s6+$0x0];
	_ =	sdelay $0x4  }
0xf8: {  	(v2sf) =	vpush v61, $0x0;
	_ =	sdelay $0xe  }
0xf9: {  	s22 =	spop (v2sf)  }
0xfa: {  	s6 =	sadd.s32 s10, s22  }
0xfb: {  	s23 =	sshll.u32 s6, $0x12;
	s6 =	sshll.u32 s6, $0x7  }
0xfc: {  	s8 =	sand.u32 $0xFFE00000, s23;
	s6 =	sand.u32 $0x380, s6  }
0xfd: {  	s6 =	sor.u32 s6, s8  }
0xfe: {  	s6 =	sshrl.u32 s6, $0x3  }
0xff: {  	s24 =	rddreg [dreg:$0x9];
	s6 =	sadd.s32 s2, s6  }
0x100: {  	[hbm:s24@s7], [sflag:s16] =	dma.strided [hbm:s6@s7], $0x8000, s3, $0x10   }
0x101: {  	s6 =	rddreg [dreg:$0xc]  }
0x102: {  	v62 =	vld [tilespmem:s6+$0x0];
	_ =	sdelay $0x4  }
0x103: {  	(v2sf) =	vpush v62, $0x0;
	_ =	sdelay $0xe  }
0x104: {  	s25 =	spop (v2sf)  }
0x105: {  	s6 =	sadd.s32 s11, s25  }
0x106: {  	s26 =	sshll.u32 s6, $0x12;
	s6 =	sshll.u32 s6, $0x7  }
0x107: {  	s8 =	sand.u32 $0xFFE00000, s26;
	s6 =	sand.u32 $0x380, s6  }
0x108: {  	s6 =	sor.u32 s6, s8  }
0x109: {  	s6 =	sshrl.u32 s6, $0x3  }
0x10a: {  	s28 =	rddreg [dreg:$0xb];
	s6 =	sadd.s32 s2, s6  }
0x10b: {  	[hbm:s28@s7], [sflag:s16] =	dma.strided [hbm:s6@s7], $0x8000, s3, $0x10   }
0x10c: {  	s6 =	rddreg [dreg:$0xe]  }
0x10d: {  	v63 =	vld [tilespmem:s6+$0x0];
	_ =	sdelay $0x4  }
0x10e: {  	(v2sf) =	vpush v63, $0x0;
	_ =	sdelay $0xe  }
0x10f: {  	s29 =	spop (v2sf)  }
0x110: {  	s5 =	sadd.s32 s5, s29  }
0x111: {  	s6 =	sshll.u32 s5, $0x12;
	s5 =	sshll.u32 s5, $0x7  }
0x112: {  	s6 =	sand.u32 $0xFFE00000, s6;
	s5 =	sand.u32 $0x380, s5  }
0x113: {  	s5 =	sor.u32 s5, s6  }
0x114: {  	s5 =	sshrl.u32 s5, $0x3  }
0x115: {  	s30 =	rddreg [dreg:$0xd];
	s31 =	sadd.s32 s2, s5  }
0x116: {  	[hbm:s30@s7], [sflag:s16] =	dma.strided [hbm:s31@s7], $0x8000, s3, $0x10   }
0x117: {  	_ =	swait.ge [sflag:s3], $0x8000  }
0x118: {  	[sflag:s3] =	ssyncset.done $0x0  }
0x119: {  	[sflag:s3] =	ssyncadd.s32 $0xFFFF8000  }
0x11a: {  	_ =	swait.ge [sflag:s3], $0x8000  }
0x11b: {  	[sflag:s3] =	ssyncset.done $0x0  }
0x11c: {  	[sflag:s3] =	ssyncadd.s32 $0xFFFF8000  }
0x11d: {  	_ =	swait.ge [sflag:s3], $0x8000  }
0x11e: {  	[sflag:s3] =	ssyncset.done $0x0  }
0x11f: {  	[sflag:s3] =	ssyncadd.s32 $0xFFFF8000  }
0x120: {  	_ =	swait.ge [sflag:s3], $0x8000  }
0x121: {  	[sflag:s3] =	ssyncset.done $0x0  }
0x122: {  	[sflag:s3] =	ssyncadd.s32 $0xFFFF8000  }
0x123: {  	_ =	swait.ge [sflag:s3], $0x8000  }
0x124: {  	[sflag:s3] =	ssyncset.done $0x0  }
0x125: {  	[sflag:s3] =	ssyncadd.s32 $0xFFFF8000  }
0x126: {  	_ =	swait.ge [sflag:s3], $0x8000  }
0x127: {  	[sflag:s3] =	ssyncset.done $0x0  }
0x128: {  	[sflag:s3] =	ssyncadd.s32 $0xFFFF8000  }
0x129: {  	_ =	sfence.sel $0x180000  }
0x12a: {  	[bflag:$0x0] =	sbarrier.arrive $0xFFFF  }
0x12b: {  	p0 =	sne.s32 s0, $0x0;
	_ =	strace $0x9000004A  }
0x12c: {  	s0 =	sadd.s32 @!p0 $0x100000, s1;
	[bflag:$0x2] =	sbarrier.arrive $0xFFFF  }
0x12d: {  	[sflag:s0] =	ssyncadd.tile.s32 @!p0 $0x1;
	_ =	shalt  }
.Lfunc_end2:
_tile_overlayer_lowered:
.L_overlay_start_2:
0x12e: {  	(tag) =	ssettag $0x2  }
0x12f: {  	s0 =	rddreg [dreg:$0x0];
	s2 =	stileid.u32  }
0x130: {  	s1 =	rddreg [dreg:$0x1];
	p0 =	sne.s32 s2, $0x0  }
0x131: {  	s3 =	rddreg [dreg:$0x2];
	[bflag:$0x3] =	sbarrier.arrive $0xFFFF;
	s2 =	simm.s32 @!p0 $0x1C02  }
0x132: {  	[timem:s3], [sflag:s2] =	dma.local @!p0 [hbm:s0], s1  }
0x133: {  	s0 =	simm.s32 @!p0 $0x2  }
0x134: {  	_ =	swait.ge @!p0 [sflag:s0], s1  }
0x135: {  	s1 =	ssub.s32 @!p0 $0x0, s1;
	[sflag:s0] =	ssyncset.done @!p0 $0x0  }
0x136: {  	[sflag:s0] =	ssyncadd.s32 @!p0 s1  }
0x137: {  	[bflag:$0x3] =	sbarrier.arrive $0xFFFF  }
0x138: {  	_ =	shalt  }

// kernel: sparse-core-data-format-call.cloned.1.call-start
scs
called_computation_lowered:
.L_overlay_start_0:
0x0: {  	s2 =	sld [smem:$0x3FD9]  }
0x1: {  	s3 =	sld [smem:$0x3FFE];
	_ =	sdelay $0x1  }
0x2: {  	s1 =	srdreg.scid  }
0x3: {  	s0 =	sand.u32 $0x1, s1  }
0x4: {  	s19 =	sshll.u32 s0, $0xA;
	s2 =	sadd.s32 s3, s2  }
0x5: {  	s2 =	sadd.s32 s2, s19  }
0x6: {  	[smem:$0x3FC6] =	sst s2  }
0x7: {  	_ = 	snop  }
0x8: {  	s2 =	sld [smem:$0x3FC9]  }
0x9: {  	s20 =	sld [smem:$0x3FD0];
	(tm) =	ssettm $0x1  }
0xa: {  	s4 =	sld [smem:$0x3FFB];
	_ =	sdelay $0x3  }
0xb: {  	_ =	strace s4  }
0xc: {  	s4 =	sld [smem:$0x3FFC];
	_ =	sdelay $0x3  }
0xd: {  	_ =	strace s4  }
0xe: {  	s4 =	sld [smem:$0x3FFD];
	_ =	sdelay $0x3  }
0xf: {  	_ =	strace s4  }
0x10: {  	_ =	strace $0x8FFFFFFF  }
0x11: {  	s21 =	sld [smem:$0x3FDB];
	_ =	sdelay $0x1  }
0x12: {  	s5 =	simm.s32 $_scs_section_size  }
0x13: {  	s6 =	simm.s32 $_size__tile_overlayer_lowered;
	s7 =	simm.s32 $_tile_overlayer_lowered  }
0x14: {  	s24 =	simm.s32 $0x1BFF;
	s23 =	sshll.u32 s7, $0x1;
	s4 =	sadd.s32 s5, s21  }
0x15: {  	s8 =	simm.s32 $0x0;
	s22 =	sshll.u32 s6, $0x1;
	s6 =	sadd.s32 s23, s4  }
0x16: {  	[timem:s8], [sflag:s24] =	dma.local [hbm:s6], s22  }
0x17: {  	_ =	swait.ge [sflag:s24], s22  }
0x18: {  	s5 =	ssub.s32 $0x0, s22;
	[sflag:s24] =	ssyncset.done $0x0  }
0x19: {  	[sflag:s24] =	ssyncadd.s32 s5;
	_ =	sdelay $0x1  }
0x1a: {  	s25 =	simm.s32 $0x1B8B  }
0x1b: {  	_ =	swait.ge [sflag:s25], $0x1  }
0x1c: {  	[sflag:s25] =	ssyncset.done $0x0  }
0x1d: {  	s26 =	simm.s32 $0x1B8E;
	[sflag:s25] =	ssyncadd.s32 $0xFFFFFFFF  }
0x1e: {  	s27 =	simm.s32 $execute0_lowered;
	[smem:$0x3FD2] =	sst s26  }
0x1f: {  	s5 =	sshll.u32 s27, $0x1;
	_ =	strace $0x80000046;
	[dreg:$0x1] =	wrdreg $0xFFFFFFFF  }
0x20: {  	s28 =	simm.s32 $_size_execute0_lowered;
	s4 =	sadd.s32 s4, s5;
	[dreg:$0x0] =	wrdreg $0x0  }
0x21: {  	s5 =	sshll.u32 s28, $0x1;
	[dreg:$0x2] =	wrdreg s4  }
0x22: {  	[dreg:$0x3] =	wrdreg s5  }
0x23: {  	[dreg:$0x4] =	wrdreg $0xC0  }
0x24: {  	_ =	task [dreg:s8], $0x5FFFF  }
0x25: {  	[dreg:$0x1] =	wrdreg $0xFFFFFFFF  }
0x26: {  	[dreg:$0x0] =	wrdreg $0x60  }
0x27: {  	[dreg:$0x2] =	wrdreg s2  }
0x28: {  	[dreg:$0x3] =	wrdreg s20  }
0x29: {  	[dreg:$0x4] =	wrdreg $0x9  }
0x2a: {  	_ =	task.clear_ibuf [dreg:s8], $0x5FFFF;
	_ =	strace $0x90000046  }
0x2b: {  	s29 =	simm.s32 $0x9;
	_ =	strace $0x80000048  }
0x2c: {  	_ =	swait.ge [sflag:s29], $0x1  }
0x2d: {  	[sflag:s29] =	ssyncadd.s32 $0xFFFFFFFF  }
0x2e: {  	_ =	strace $0x90000048  }
0x2f: {  	_ =	sfence  }
0x30: {  	s30 =	sld [smem:$0x0];
	_ =	sdelay $0x2  }
0x31: {  	s31 =	sshll.u32 s1, $0xD;
	s1 =	sshrl.u32 s1, $0x2  }
0x32: {  	s3 =	sand.u32 $0x4000, s31;
	s1 =	sadd.s32 s1, s30  }
0x33: {  	s0 =	sor.u32 s3, s0;
	s1 =	sshll.u32 s1, $0x11  }
0x34: {  	s0 =	sor.u32 s1, s0  }
0x35: {  	s0 =	sadd.s32 $0x8F2B, s0  }
0x36: {  	[sflag:s0] =	ssyncadd.remote.s32 $0x1  }
0x37: {  	_ =	sfence.sel $0xFFFF  }
0x38: {  	[dreg:$0x0] =	wrdreg $0xFFFFFFFF;
	(pc) =	sbr.abs _section_cstart, $3  }
0x39: {  	[dreg:$0x1] =	wrdreg $0xFFFFFFFF  }
0x3a: {  	_ =	task.clear_ibuf [dreg:s8], $0x2FFFF;
	_ =	strace $0x9FFFFFFF  }
0x3b: {  	(tm) =	ssettm $0x7FFFFFFF  }
tec
execute0_lowered:
.L_overlay_start_1:
0x0: {  	(tag) =	ssettag $0x1  }
0x1: {  	s0 =	stileid.u32  }
0x2: {  	s1 =	srdreg.scid;
	s3 =	rddreg [dreg:$0x0]  }
0x3: {  	s5 =	simm.s32 $0x1;
	s2 =	sshll.u32 s0, $0x4;
	s1 =	sshll.u32 s1, $0x8  }
0x4: {  	s8 =	simm.s32 $0x2;
	s16 =	simm.s32 $0x0;
	s1 =	sor.u32 s2, s1  }
0x5: {  	s9 =	simm.s32 $0x1000;
	s10 =	simm.s32 $0x0;
	s2 =	sand.u32 $0x180, s1  }
0x6: {  	s17 =	simm.s32 $0x0;
	s19 =	simm.s32 $0x0;
	s1 =	ssub.s32 $0x200, s2  }
0x7: {  	s18 =	simm.s32 $0x0;
	s11 =	simm.s32 $0x0;
	s4 =	sand.u32 $0x180, s1  }
0x8: {  	s14 =	simm.s32 $0x0;
	s6 =	sshrl.u32 s1, $0x9;
	p0 =	sne.s32 s4, $0x0  }
.Ltmp0:
0x9: {  	s1 =	rddreg [dreg:$0x2];
	s5 =	simm.s32 @!p0 $0x0;
	(pc) =	sbr.rel .LBB1_1-.Ltmp0, $4  }
0xa: {  	s7 =	sand.u32 $0x7, s0;
	s4 =	rddreg [dreg:$0x1];
	s6 =	sadd.s32 s5, s6  }
0xb: {  	_ =	strace $0x80000047;
	s5 =	simm.s32 $0x1;
	s6 =	smul.u32 $0x60, s6  }
0xc: {  	s15 =	simm.s32 $0x0;
	s13 =	smov.u32 s7;
	[sflag:s5] =	ssyncpa.u1 $0x0  }
0xd: {  	s12 =	smov.u32 s2;
	[sflag:s8] =	ssyncpa.u1 $0x0;
	s8 =	sor.u32 $0x1, s6  }
.LBB1_4:
0xe: {  	_ =	sdelay $0x3  }
0xf: {  	[tilespmem:v0+s22+$0xFFFFFFA0 ss:$0x1] =	vst.idx.msk $0xffff, v6  }
0x10: {  	v56 =	vld.idx.msk [tilespmem:v1+s21+$0x30 ss:$0x1], $0xffff;
	[tilespmem:v0+s22+$0xFFFFFFB0 ss:$0x1] =	vst.idx.msk $0xffff, v4  }
0x11: {  	v57 =	vld.idx.msk [tilespmem:v1+s21+$0xFFFFFFC0 ss:$0x1], $0xffff;
	[tilespmem:v0+s22+$0xFFFFFFC0 ss:$0x1] =	vst.idx.msk $0xffff, v2  }
0x12: {  	v58 =	vld.idx.msk [tilespmem:v1+s21+$0xFFFFFFD0 ss:$0x1], $0xffff;
	[tilespmem:v0+s22+$0xFFFFFFD0 ss:$0x1] =	vst.idx.msk $0xffff, v3  }
0x13: {  	v59 =	vld.idx.msk [tilespmem:v1+s21+$0xFFFFFFE0 ss:$0x1], $0xffff;
	[tilespmem:v0+s22+$0xFFFFFFE0 ss:$0x1] =	vst.idx.msk $0xffff, v5  }
0x14: {  	v60 =	vld.idx.msk [tilespmem:v1+s21+$0xFFFFFFF0 ss:$0x1], $0xffff;
	[tilespmem:v0+s22+$0xFFFFFFF0 ss:$0x1] =	vst.idx.msk $0xffff, v7  }
0x15: {  	v61 =	vld.idx.msk [tilespmem:v1+s21+$0x0 ss:$0x1], $0xffff;
	[tilespmem:v0+s21+$0x0 ss:$0x1] =	vst.idx.msk $0xffff, v56  }
0x16: {  	v62 =	vld.idx.msk [tilespmem:v1+s21+$0x10 ss:$0x1], $0xffff;
	[tilespmem:v0+s21+$0xFFFFFF90 ss:$0x1] =	vst.idx.msk $0xffff, v57  }
0x17: {  	s19 =	sshll.u32 s19, $0x7;
	v63 =	vld.idx.msk [tilespmem:v1+s21+$0x20 ss:$0x1], $0xffff;
	s29 =	sand.u32 $0x78, s16;
	[tilespmem:v0+s21+$0xFFFFFFA0 ss:$0x1] =	vst.idx.msk $0xffff, v58  }
0x18: {  	s30 =	sshll.u32 s16, $0x3;
	s18 =	sshll.u32 s18, $0x12;
	s19 =	sand.u32 $0x380, s19;
	[tilespmem:v0+s21+$0xFFFFFFB0 ss:$0x1] =	vst.idx.msk $0xffff, v59  }
0x19: {  	s17 =	sshll.u32 s17, $0x9;
	s22 =	sand.u32 $0xC00, s30;
	s19 =	sor.u32 s29, s19;
	[tilespmem:v0+s21+$0xFFFFFFC0 ss:$0x1] =	vst.idx.msk $0xffff, v60  }
0x1a: {  	s31 =	sand.u32 $0x7, s16;
	s18 =	sadd.s32 s4, s18;
	s19 =	sor.u32 s22, s19;
	[tilespmem:v0+s21+$0xFFFFFFD0 ss:$0x1] =	vst.idx.msk $0xffff, v61  }
0x1b: {  	s16 =	sshll.u32 s31, $0x12;
	s17 =	sadd.s32 s17, s18;
	s19 =	sshrl.u32 s19, $0x3;
	[tilespmem:v0+s21+$0xFFFFFFE0 ss:$0x1] =	vst.idx.msk $0xffff, v62  }
0x1c: {  	s16 =	sor.u32 $0x80, s16;
	[tilespmem:v0+s21+$0xFFFFFFF0 ss:$0x1] =	vst.idx.msk $0xffff, v63;
	s17 =	sadd.s32 s19, s17  }
0x1d: {  	[hbm4b:s17+s16] =	stream.strided.scatter [tilespmem:s20], [sflag:$0x2], $0x4000, s9, s16, $0x38;
	[tilespmem:$0x10000] =	vst v63  }
.LBB1_5:
0x1e: {  	s20 =	sadd.s32 $0x80, s11  }
0x1f: {  	s16 =	sadd.s32 $0x200, s12;
	s21 =	smov.u32 s12;
	p1 =	sgt.s32 s20, $0x1FF  }
0x20: {  	s21 =	smov.u32 @p1 s16  }
0x21: {  	s22 =	smov.u32 s13;
	s16 =	sadd.s32 $0x8, s13;
	p2 =	sgt.s32 s21, $0x1FF  }
0x22: {  	s22 =	smov.u32 @p2 s16  }
0x23: {  	s16 =	simm.s32 $0x1;
	p3 =	sgt.s32 s22, $0x7  }
0x24: {  	s16 =	simm.s32 @!p3 $0x0  }
0x25: {  	p0 =	slt.u32 s15, $0x2;
	s24 =	sadd.s32 s16, s14  }
0x26: {  	s17 =	smov.u32 s12;
	s20 =	simm.s32 @p1 $0x0;
	p1 =	sgt.s32 s24, $0x17  }
0x27: {  	s23 =	simm.s32 @!p0 $0x2;
	s24 =	simm.s32 @p1 $0x0;
	p1 =	sne.s32 s15, s8  }
.Ltmp1:
0x28: {  	s19 =	smov.u32 s13;
	_ =	swait.ge @!p0 [sflag:s23], $0x4000;
	(pc) =	sbr.rel @!p1 .LBB1_6-.Ltmp1, $4  }
0x29: {  	s18 =	smov.u32 s14;
	[sflag:s23] =	ssyncset.done @!p0 $0x0;
	s21 =	smov.u32 @p2 s2  }
0x2a: {  	s10 =	sadd.s32 $0x4000, s10;
	[sflag:s23] =	ssyncadd.s32 @!p0 $0xFFFFC000;
	s12 =	smov.u32 s21  }
0x2b: {  	s22 =	smov.u32 @p3 s7;
	s16 =	smov.u32 s11;
	s11 =	smov.u32 s20  }
0x2c: {  	s13 =	smov.u32 s22;
	s15 =	sadd.s32 $0x1, s15;
	s14 =	smov.u32 s24  }
.LBB1_1:
0x2d: {  	p0 =	sge.u32 s15, s6;
	s31 =	sadd.s32 $0xFFFFFFFF, s15  }
0x2e: {  	s20 =	sxor.u32 @!p0 $0xFFFFFFFF, s15;
	s21 =	sand.u32 @!p0 $0x78, s11;
	s22 =	sshll.u32 @!p0 s12, $0x9  }
0x2f: {  	s23 =	sshll.u32 @!p0 s11, $0x3;
	s24 =	sshll.u32 @!p0 s12, $0x7;
	s20 =	sshll.u32 @!p0 s20, $0xE  }
0x30: {  	s22 =	sand.u32 @!p0 $0x3F000, s22;
	s23 =	sand.u32 @!p0 $0x3FC00, s23;
	s20 =	sand.u32 @!p0 $0x4000, s20  }
0x31: {  	s22 =	sadd.s32 @!p0 s22, s23;
	s23 =	sand.u32 @!p0 $0x200, s24;
	s24 =	sand.u32 @!p0 $0x180, s24  }
0x32: {  	s22 =	sor.u32 @!p0 s23, s22;
	s21 =	sor.u32 @!p0 s21, s24;
	s23 =	sshll.u32 @!p0 s14, $0x12  }
0x33: {  	s24 =	sshll.u32 @!p0 s13, $0xF;
	s22 =	sshrl.u32 @!p0 s22, $0x3;
	s23 =	sadd.s32 @!p0 s3, s23  }
0x34: {  	s21 =	sshrl.u32 @!p0 s21, $0x3;
	s23 =	sadd.s32 @!p0 s24, s23;
	s24 =	sand.u32 @!p0 $0x7, s11  }
0x35: {  	s22 =	sand.u32 @!p0 $0x7FC0, s22;
	s21 =	sadd.s32 @!p0 s21, s23;
	s23 =	sshll.u32 @!p0 s24, $0x12  }
0x36: {  	s21 =	sadd.s32 @!p0 s22, s21;
	s22 =	sor.u32 @!p0 $0x400, s23;
	s23 =	simm.s32 @!p0 $0x1000  }
0x37: {  	[tilespmem:s20], [sflag:$0x1] =	stream.strided.gather @!p0 [hbm4b:s21+s22], $0x4000, s23, s22, $0x38;
	[tilespmem:$0x10000] =	vst v63  }
0x38: {  	p0 =	sge.u32 s31, s6  }
.Ltmp2:
0x39: {  	_ = 	snop;
	(pc) =	sbr.rel @p0 .LBB1_5-.Ltmp2, $1  }
0x3a: {  	_ =	sdelay $0x3  }
0x3b: {  	s20 =	sand.u32 $0x4000, s10  }
0x3c: {  	s21 =	sor.u32 $0x40, s20  }
0x3d: {  	v1 =	vmov s21;
	_ =	sdelay $0x1  }
0x3e: {  	_ =	swait.ge [sflag:s5], $0x4000  }
0x3f: {  	[sflag:s5] =	ssyncset.done $0x0  }
0x40: {  	s22 =	simm.s32 $0x0;
	[sflag:s5] =	ssyncadd.s32 $0xFFFFC000  }
0x41: {  	s20 =	sor.u32 $0x8070, s20;
	v7 =	vld.idx.msk [tilespmem:v1+s22+$0x30 ss:$0x1], $0xffff  }
0x42: {  	v0 =	vmov s20;
	v8 =	vld.idx.msk [tilespmem:v1+s22+$0xFFFFFFC0 ss:$0x1], $0xffff  }
0x43: {  	v6 =	vld.idx.msk [tilespmem:v1+s22+$0xFFFFFFD0 ss:$0x1], $0xffff  }
0x44: {  	v4 =	vld.idx.msk [tilespmem:v1+s22+$0xFFFFFFE0 ss:$0x1], $0xffff  }
0x45: {  	v2 =	vld.idx.msk [tilespmem:v1+s22+$0xFFFFFFF0 ss:$0x1], $0xffff  }
0x46: {  	s31 =	sshll.u32 s15, $0xE;
	v3 =	vld.idx.msk [tilespmem:v1+s22+$0x0 ss:$0x1], $0xffff  }
0x47: {  	s20 =	sand.u32 $0x4000, s31;
	v5 =	vld.idx.msk [tilespmem:v1+s22+$0x10 ss:$0x1], $0xffff;
	[tilespmem:v0+s22+$0x0 ss:$0x1] =	vst.idx.msk $0xffff, v7  }
0x48: {  	s23 =	simm.s32 $0x400;
	s21 =	simm.s32 $0x80;
	s20 =	sor.u32 $0x8000, s20;
	[tilespmem:v0+s22+$0xFFFFFF90 ss:$0x1] =	vst.idx.msk $0xffff, v8;
	v7 =	vld.idx.msk [tilespmem:v1+s22+$0x20 ss:$0x1], $0xffff  }
.LBB1_3:
0x49: {  	p0 =	sne.s32 s23, $0xFE00;
	v8 =	vld.idx.msk [tilespmem:v1+s21+$0x30 ss:$0x1], $0xffff;
	[tilespmem:v0+s22+$0xFFFFFFA0 ss:$0x1] =	vst.idx.msk $0xffff, v6  }
0x4a: {  	v9 =	vld.idx.msk [tilespmem:v1+s21+$0xFFFFFFC0 ss:$0x1], $0xffff;
	[tilespmem:v0+s22+$0xFFFFFFB0 ss:$0x1] =	vst.idx.msk $0xffff, v4  }
0x4b: {  	v6 =	vld.idx.msk [tilespmem:v1+s21+$0xFFFFFFD0 ss:$0x1], $0xffff;
	[tilespmem:v0+s22+$0xFFFFFFC0 ss:$0x1] =	vst.idx.msk $0xffff, v2  }
.Ltmp3:
0x4c: {  	v4 =	vld.idx.msk [tilespmem:v1+s21+$0xFFFFFFE0 ss:$0x1], $0xffff;
	[tilespmem:v0+s22+$0xFFFFFFD0 ss:$0x1] =	vst.idx.msk $0xffff, v3;
	(pc) =	sbr.rel @p0 .LBB1_3-.Ltmp3, $4  }
0x4d: {  	v2 =	vld.idx.msk [tilespmem:v1+s21+$0xFFFFFFF0 ss:$0x1], $0xffff;
	[tilespmem:v0+s22+$0xFFFFFFE0 ss:$0x1] =	vst.idx.msk $0xffff, v5  }
0x4e: {  	v3 =	vld.idx.msk [tilespmem:v1+s21+$0x0 ss:$0x1], $0xffff;
	[tilespmem:v0+s22+$0xFFFFFFF0 ss:$0x1] =	vst.idx.msk $0xffff, v7;
	s22 =	smov.u32 s21  }
0x4f: {  	v5 =	vld.idx.msk [tilespmem:v1+s22+$0x10 ss:$0x1], $0xffff;
	[tilespmem:v0+s22+$0x0 ss:$0x1] =	vst.idx.msk $0xffff, v8  }
0x50: {  	s21 =	sshra.s32 s23, $0x2;
	s23 =	sadd.s32 $0x200, s23;
	[tilespmem:v0+s22+$0xFFFFFF90 ss:$0x1] =	vst.idx.msk $0xffff, v9;
	v7 =	vld.idx.msk [tilespmem:v1+s22+$0x20 ss:$0x1], $0xffff  }
.Ltmp4:
0x51: {  	_ = 	snop;
	(pc) =	sbr.rel .LBB1_4-.Ltmp4, $1  }
0x52: {  	_ =	sdelay $0x3  }
.LBB1_6:
0x53: {  	_ =	sfence.sel $0x180000  }
0x54: {  	s2 =	simm.s32 $0x1;
	[bflag:$0x0] =	sbarrier.arrive $0xFFFF  }
0x55: {  	s31 =	simm.s32 $0x2;
	[sflag:s2] =	ssyncpa.u1 $0x1  }
0x56: {  	[sflag:s31] =	ssyncpa.u1 $0x1  }
0x57: {  	p0 =	sne.s32 s0, $0x0;
	_ =	strace $0x90000047  }
0x58: {  	s0 =	sadd.s32 @!p0 $0x100000, s1;
	[bflag:$0x2] =	sbarrier.arrive $0xFFFF  }
0x59: {  	[sflag:s0] =	ssyncadd.tile.s32 @!p0 $0x1;
	_ =	shalt  }
.Lfunc_end1:
_tile_overlayer_lowered:
.L_overlay_start_2:
0x5a: {  	(tag) =	ssettag $0x2  }
0x5b: {  	s0 =	rddreg [dreg:$0x0];
	s2 =	stileid.u32  }
0x5c: {  	s1 =	rddreg [dreg:$0x1];
	p0 =	sne.s32 s2, $0x0  }
0x5d: {  	s3 =	rddreg [dreg:$0x2];
	[bflag:$0x3] =	sbarrier.arrive $0xFFFF;
	s2 =	simm.s32 @!p0 $0x1C01  }
0x5e: {  	[timem:s3], [sflag:s2] =	dma.local @!p0 [hbm:s0], s1  }
0x5f: {  	s0 =	simm.s32 @!p0 $0x1  }
0x60: {  	_ =	swait.ge @!p0 [sflag:s0], s1  }
0x61: {  	s1 =	ssub.s32 @!p0 $0x0, s1;
	[sflag:s0] =	ssyncset.done @!p0 $0x0  }
0x62: {  	[sflag:s0] =	ssyncadd.s32 @!p0 s1  }
0x63: {  	[bflag:$0x3] =	sbarrier.arrive $0xFFFF  }
0x64: {  	_ =	shalt  }

</sc_bundles>
